<compile_context>
chip_gen: v7x
topology: tpu7x:2x2x1
jax: 0.10.2.dev20260603
libtpu: 0.0.44.dev20260713+nightly
codegen_flags: <defaults>
</compile_context>

<pallas_src>
import functools

import jax
import jax.numpy as jnp
from jax import lax
from jax.experimental import pallas as pl
from jax.experimental.pallas import tpu as pltpu
from jax.experimental.pallas import tpu_sc as plsc

D = 128
NC = 2
NS = 16
NW = NC * NS
CHUNK = 128
NBUF = 2
LOOK = 1


def _build_sc_gather(n_slots):
    mesh = plsc.VectorSubcoreMesh(
        core_axis_name="c", subcore_axis_name="s",
        num_cores=NC, num_subcores=NS)

    @functools.partial(
        pl.kernel,
        out_type=jax.ShapeDtypeStruct((NW * n_slots, CHUNK, D),
                                      jnp.float32),
        mesh=mesh,
        scratch_types=[
            pltpu.VMEM((n_slots, CHUNK), jnp.int32),
            pltpu.VMEM((NBUF, CHUNK, D), jnp.float32),
            pltpu.SemaphoreType.DMA((NBUF,)),
            pltpu.SemaphoreType.DMA((NBUF,)),
        ],
    )
    def sc_gather(idx_hbm, table_hbm, out_hbm, idx_v, rows_v, gsem, osem):
        wid = lax.axis_index("s") * NC + lax.axis_index("c")
        pltpu.sync_copy(idx_hbm.at[wid], idx_v)
        base = wid * n_slots

        def gather(j, slot):
            return pltpu.make_async_copy(
                table_hbm.at[idx_v.at[j]], rows_v.at[slot], gsem.at[slot])

        def writeback(j, slot):
            return pltpu.make_async_copy(
                rows_v.at[slot], out_hbm.at[base + j], osem.at[slot])

        for b in range(LOOK):
            gather(b, b).start()

        def step(j, b):
            s2 = (b + LOOK) % NBUF

            @pl.when(j + LOOK < n_slots)
            def _():
                @pl.when(j + LOOK >= NBUF)
                def _():
                    writeback(j + LOOK - NBUF, s2).wait()
                gather(j + LOOK, s2).start()

            gather(j, b).wait()
            writeback(j, b).start()

        def outer(i, carry):
            j0 = i * NBUF
            for b in range(NBUF):
                step(j0 + b, b)
            return carry

        lax.fori_loop(0, n_slots // NBUF, outer, 0)

        for b in range(NBUF):
            writeback(n_slots - NBUF + b, b).wait()

    return sc_gather


def kernel(x, table):
    xs, seq = x.shape
    B = xs * seq
    xf = x.astype(jnp.int32).reshape(B)
    b_sc = (B * 9 // 10) // (NW * CHUNK * NBUF) * (NW * CHUNK * NBUF)
    n_slots = b_sc // (NW * CHUNK)
    idx4 = xf[:b_sc].reshape(NW, n_slots, CHUNK)
    out_sc = _build_sc_gather(n_slots)(idx4, table).reshape(b_sc, D)
    out_tc = jnp.take(table, xf[b_sc:], axis=0)
    return jnp.concatenate([out_sc, out_tc], axis=0).reshape(xs, seq, D)

# --- scband reference (transcript-rebuilt; emitter-appended) ---
"""Pipeline reference for scband-embedding-9775345565738 (READ-ONLY COPY).

The authoritative reference and input builder live on the scoring server;
editing this copy changes nothing except your own understanding.
"""

import jax, jax.numpy as jnp
import numpy as np

VOCAB = 100000
EMBED_DIM = 128


def setup_inputs(seed: int = 0) -> dict:
    key = jax.random.key(seed)
    k_idx, k_tab = jax.random.split(key)
    x = jax.random.randint(k_idx, (4096, 200), 0, VOCAB, dtype=jnp.int64)
    table = jax.random.normal(k_tab, (VOCAB, EMBED_DIM), dtype=jnp.float32)
    return {"x": x, "table": table}


def reference(x, table):
    # nn.Embedding forward: gather rows of the table by index
    out = jnp.take(table, x, axis=0)
    return out

if __name__ == "__main__":
    import jax
    _d = setup_inputs()
    print(jax.jit(kernel)(*tuple(_d.values())))

</pallas_src>

<mosaic_0001>
#map = affine_map<(d0, d1) -> (0, 0, 0)>
#map1 = affine_map<(d0, d1) -> (0, 0)>
module attributes {stable_mosaic.version = 14 : i64} {
  func.func @sc_gather(%arg0: i32, %arg1: i32, %arg2: memref<32x180x128xi32, #tpu.memory_space<hbm>>, %arg3: memref<100000x128xf32, #tpu.memory_space<hbm>>, %arg4: memref<5760x128x128xf32, #tpu.memory_space<hbm>>, %arg5: memref<180x128xi32, #tpu.memory_space<vmem>>, %arg6: memref<2x128x128xf32, #tpu.memory_space<vmem>>, %arg7: memref<2x!tpu.dma_semaphore, #tpu.memory_space<semaphore_mem>>, %arg8: memref<2x!tpu.dma_semaphore, #tpu.memory_space<semaphore_mem>>) attributes {dimension_semantics = [#tpu.dimension_semantics<core_parallel>, #tpu.dimension_semantics<subcore_parallel>], iteration_bounds = array<i64: 2, 16>, scalar_prefetch = 0 : i64, scratch_operands = 4 : i64, tpu.core_type = #tpu.core_type<sc_vector_subcore>, window_params = [{transform_indices = #map}, {transform_indices = #map1}, {transform_indices = #map}]} {
    %mul3A = arith.constant 2 : i32
    %mul3A_0 = arith.muli %arg1, %mul3A : i32
    %add3A = arith.addi %mul3A_0, %arg0 : i32
    "tpu.region"() ({
      %run_scoped3A = tpu.sem_alloc : memref<!tpu.dma_semaphore, #tpu.memory_space<semaphore_mem>>
      %dma_start3A_65 = arith.constant 0 : i32
      %dma_start3A_66 = arith.constant 0 : i32
      %dma_start3A_67 = tpu.memref_slice %arg2[%add3A, %dma_start3A_65, %dma_start3A_66] : memref<32x180x128xi32, #tpu.memory_space<hbm>> -> memref<1x180x128xi32, #tpu.memory_space<hbm>>
      %dma_start3A_68 = tpu.memref_squeeze %dma_start3A_67 : memref<1x180x128xi32, #tpu.memory_space<hbm>> -> memref<180x128xi32, #tpu.memory_space<hbm>>
      %dma_start3A_69 = arith.constant 0 : i32
      %dma_start3A_70 = arith.constant 0 : i32
      %dma_start3A_71 = tpu.memref_slice %arg2[%add3A, %dma_start3A_69, %dma_start3A_70] : memref<32x180x128xi32, #tpu.memory_space<hbm>> -> memref<1x180x128xi32, #tpu.memory_space<hbm>>
      %dma_start3A_72 = tpu.memref_squeeze %dma_start3A_71 : memref<1x180x128xi32, #tpu.memory_space<hbm>> -> memref<180x128xi32, #tpu.memory_space<hbm>>
      tpu.enqueue_dma source(%dma_start3A_72 : memref<180x128xi32, #tpu.memory_space<hbm>>) target(%arg5 : memref<180x128xi32, #tpu.memory_space<vmem>>) target_semaphore(%run_scoped3A : memref<!tpu.dma_semaphore, #tpu.memory_space<semaphore_mem>>)
      %dma_wait3A_73 = arith.constant 0 : i32
      %dma_wait3A_74 = arith.constant 0 : i32
      %dma_wait3A_75 = tpu.memref_slice %arg2[%add3A, %dma_wait3A_73, %dma_wait3A_74] : memref<32x180x128xi32, #tpu.memory_space<hbm>> -> memref<1x180x128xi32, #tpu.memory_space<hbm>>
      %dma_wait3A_76 = tpu.memref_squeeze %dma_wait3A_75 : memref<1x180x128xi32, #tpu.memory_space<hbm>> -> memref<180x128xi32, #tpu.memory_space<hbm>>
      %dma_wait3A_77 = arith.constant 0 : i32
      %dma_wait3A_78 = arith.constant 0 : i32
      %dma_wait3A_79 = tpu.memref_slice %arg2[%add3A, %dma_wait3A_77, %dma_wait3A_78] : memref<32x180x128xi32, #tpu.memory_space<hbm>> -> memref<1x180x128xi32, #tpu.memory_space<hbm>>
      %dma_wait3A_80 = tpu.memref_squeeze %dma_wait3A_79 : memref<1x180x128xi32, #tpu.memory_space<hbm>> -> memref<180x128xi32, #tpu.memory_space<hbm>>
      tpu.wait_dma2 semaphore(%run_scoped3A : memref<!tpu.dma_semaphore, #tpu.memory_space<semaphore_mem>>) src(%dma_wait3A_80 : memref<180x128xi32, #tpu.memory_space<hbm>>) dst(%arg5 : memref<180x128xi32, #tpu.memory_space<vmem>>)
      tpu.yield
    }) : () -> ()
    %mul3A_1 = arith.constant 180 : i32
    %mul3A_2 = arith.muli %add3A, %mul3A_1 : i32
    %dma_start3A = arith.constant 0 : i32
    %dma_start3A_3 = arith.constant 0 : i32
    %dma_start3A_4 = arith.constant 0 : i32
    %dma_start3A_5 = arith.constant 0 : i32
    %dma_start3A_6 = arith.constant 0 : i32
    %dma_start3A_7 = tpu.memref_slice %arg6[%dma_start3A_3, %dma_start3A_5, %dma_start3A_6] : memref<2x128x128xf32, #tpu.memory_space<vmem>> -> memref<1x128x128xf32, #tpu.memory_space<vmem>>
    %dma_start3A_8 = tpu.memref_squeeze %dma_start3A_7 : memref<1x128x128xf32, #tpu.memory_space<vmem>> -> memref<128x128xf32, #tpu.memory_space<vmem>>
    %dma_start3A_9 = arith.constant 0 : i32
    %dma_start3A_10 = tpu.memref_slice %arg5[%dma_start3A, %dma_start3A_9] : memref<180x128xi32, #tpu.memory_space<vmem>> -> memref<1x128xi32, #tpu.memory_space<vmem>>
    %dma_start3A_11 = tpu.memref_squeeze %dma_start3A_10 : memref<1x128xi32, #tpu.memory_space<vmem>> -> memref<128xi32, #tpu.memory_space<vmem>>
    %dma_start3A_12 = arith.constant 0 : i32
    %dma_start3A_13 = arith.constant 0 : i32
    %dma_start3A_14 = tpu.memref_slice %arg3[%dma_start3A_12, %dma_start3A_13] : memref<100000x128xf32, #tpu.memory_space<hbm>> -> memref<100000x128xf32, #tpu.memory_space<hbm>>
    %dma_start3A_15 = tpu.memref_slice %arg7[%dma_start3A_4] : memref<2x!tpu.dma_semaphore, #tpu.memory_space<semaphore_mem>> -> memref<1x!tpu.dma_semaphore, #tpu.memory_space<semaphore_mem>>
    %dma_start3A_16 = tpu.memref_squeeze %dma_start3A_15 : memref<1x!tpu.dma_semaphore, #tpu.memory_space<semaphore_mem>> -> memref<!tpu.dma_semaphore, #tpu.memory_space<semaphore_mem>>
    tpu.enqueue_indirect_dma source(%dma_start3A_14 : memref<100000x128xf32, #tpu.memory_space<hbm>>) target(%dma_start3A_8 : memref<128x128xf32, #tpu.memory_space<vmem>>) offsets(%dma_start3A_11 : memref<128xi32, #tpu.memory_space<vmem>>) semaphore(%dma_start3A_16 : memref<!tpu.dma_semaphore, #tpu.memory_space<semaphore_mem>>)
    %scan3A = arith.constant 0 : i32
    %scan3A_17 = arith.constant 0 : i32
    %scan3A_18 = arith.constant 90 : i32
    %scan3A_19 = arith.addi %scan3A_17, %scan3A_18 : i32
    %scan3A_20 = arith.constant 1 : i32
    scf.for %scan3A_65 = %scan3A_17 to %scan3A_19 step %scan3A_20  : i32 {
      %mul3A_66 = arith.constant 2 : i32
      %mul3A_67 = arith.muli %scan3A_65, %mul3A_66 : i32
      %add3A_68 = arith.constant 0 : i32
      %add3A_69 = arith.addi %mul3A_67, %add3A_68 : i32
      %add3A_70 = arith.constant 1 : i32
      %add3A_71 = arith.addi %add3A_69, %add3A_70 : i32
      %lt3A = arith.constant 180 : i32
      %lt3A_72 = arith.cmpi slt, %add3A_71, %lt3A : i32
      %convert_element_type3A = arith.extui %lt3A_72 : i1 to i32
      %cond3A = arith.constant 0 : i32
      %cond3A_73 = arith.cmpi ne, %convert_element_type3A, %cond3A : i32
      scf.if %cond3A_73 {
        %add3A_153 = arith.constant 1 : i32
        %add3A_154 = arith.addi %add3A_69, %add3A_153 : i32
        %ge3A = arith.constant 2 : i32
        %ge3A_155 = arith.cmpi sge, %add3A_154, %ge3A : i32
        %convert_element_type3A_156 = arith.extui %ge3A_155 : i1 to i32
        %cond3A_157 = arith.constant 0 : i32
        %cond3A_158 = arith.cmpi ne, %convert_element_type3A_156, %cond3A_157 : i32
        scf.if %cond3A_158 {
          %add3A_175 = arith.constant 1 : i32
          %add3A_176 = arith.addi %add3A_69, %add3A_175 : i32
          %sub3A = arith.constant 2 : i32
          %sub3A_177 = arith.subi %add3A_176, %sub3A : i32
          %add3A_178 = arith.addi %mul3A_2, %sub3A_177 : i32
          %dma_wait3A_179 = arith.constant 1 : i32
          %dma_wait3A_180 = arith.constant 1 : i32
          %dma_wait3A_181 = arith.constant 0 : i32
          %dma_wait3A_182 = arith.constant 0 : i32
          %dma_wait3A_183 = tpu.memref_slice %arg6[%dma_wait3A_179, %dma_wait3A_181, %dma_wait3A_182] : memref<2x128x128xf32, #tpu.memory_space<vmem>> -> memref<1x128x128xf32, #tpu.memory_space<vmem>>
          %dma_wait3A_184 = tpu.memref_squeeze %dma_wait3A_183 : memref<1x128x128xf32, #tpu.memory_space<vmem>> -> memref<128x128xf32, #tpu.memory_space<vmem>>
          %dma_wait3A_185 = arith.constant 0 : i32
          %dma_wait3A_186 = arith.constant 0 : i32
          %dma_wait3A_187 = tpu.memref_slice %arg4[%add3A_178, %dma_wait3A_185, %dma_wait3A_186] : memref<5760x128x128xf32, #tpu.memory_space<hbm>> -> memref<1x128x128xf32, #tpu.memory_space<hbm>>
          %dma_wait3A_188 = tpu.memref_squeeze %dma_wait3A_187 : memref<1x128x128xf32, #tpu.memory_space<hbm>> -> memref<128x128xf32, #tpu.memory_space<hbm>>
          %dma_wait3A_189 = tpu.memref_slice %arg8[%dma_wait3A_180] : memref<2x!tpu.dma_semaphore, #tpu.memory_space<semaphore_mem>> -> memref<1x!tpu.dma_semaphore, #tpu.memory_space<semaphore_mem>>
          %dma_wait3A_190 = tpu.memref_squeeze %dma_wait3A_189 : memref<1x!tpu.dma_semaphore, #tpu.memory_space<semaphore_mem>> -> memref<!tpu.dma_semaphore, #tpu.memory_space<semaphore_mem>>
          %dma_wait3A_191 = arith.constant 0 : i32
          %dma_wait3A_192 = arith.constant 0 : i32
          %dma_wait3A_193 = tpu.memref_slice %arg4[%add3A_178, %dma_wait3A_191, %dma_wait3A_192] : memref<5760x128x128xf32, #tpu.memory_space<hbm>> -> memref<1x128x128xf32, #tpu.memory_space<hbm>>
          %dma_wait3A_194 = tpu.memref_squeeze %dma_wait3A_193 : memref<1x128x128xf32, #tpu.memory_space<hbm>> -> memref<128x128xf32, #tpu.memory_space<hbm>>
          %dma_wait3A_195 = arith.constant 0 : i32
          %dma_wait3A_196 = arith.constant 0 : i32
          %dma_wait3A_197 = tpu.memref_slice %arg6[%dma_wait3A_179, %dma_wait3A_195, %dma_wait3A_196] : memref<2x128x128xf32, #tpu.memory_space<vmem>> -> memref<1x128x128xf32, #tpu.memory_space<vmem>>
          %dma_wait3A_198 = tpu.memref_squeeze %dma_wait3A_197 : memref<1x128x128xf32, #tpu.memory_space<vmem>> -> memref<128x128xf32, #tpu.memory_space<vmem>>
          tpu.wait_dma2 semaphore(%dma_wait3A_190 : memref<!tpu.dma_semaphore, #tpu.memory_space<semaphore_mem>>) src(%dma_wait3A_198 : memref<128x128xf32, #tpu.memory_space<vmem>>) dst(%dma_wait3A_194 : memref<128x128xf32, #tpu.memory_space<hbm>>)
        } else {
        }
        %add3A_159 = arith.constant 1 : i32
        %add3A_160 = arith.addi %add3A_69, %add3A_159 : i32
        %dma_start3A_161 = arith.constant 1 : i32
        %dma_start3A_162 = arith.constant 1 : i32
        %dma_start3A_163 = arith.constant 0 : i32
        %dma_start3A_164 = arith.constant 0 : i32
        %dma_start3A_165 = tpu.memref_slice %arg6[%dma_start3A_161, %dma_start3A_163, %dma_start3A_164] : memref<2x128x128xf32, #tpu.memory_space<vmem>> -> memref<1x128x128xf32, #tpu.memory_space<vmem>>
        %dma_start3A_166 = tpu.memref_squeeze %dma_start3A_165 : memref<1x128x128xf32, #tpu.memory_space<vmem>> -> memref<128x128xf32, #tpu.memory_space<vmem>>
        %dma_start3A_167 = arith.constant 0 : i32
        %dma_start3A_168 = tpu.memref_slice %arg5[%add3A_160, %dma_start3A_167] : memref<180x128xi32, #tpu.memory_space<vmem>> -> memref<1x128xi32, #tpu.memory_space<vmem>>
        %dma_start3A_169 = tpu.memref_squeeze %dma_start3A_168 : memref<1x128xi32, #tpu.memory_space<vmem>> -> memref<128xi32, #tpu.memory_space<vmem>>
        %dma_start3A_170 = arith.constant 0 : i32
        %dma_start3A_171 = arith.constant 0 : i32
        %dma_start3A_172 = tpu.memref_slice %arg3[%dma_start3A_170, %dma_start3A_171] : memref<100000x128xf32, #tpu.memory_space<hbm>> -> memref<100000x128xf32, #tpu.memory_space<hbm>>
        %dma_start3A_173 = tpu.memref_slice %arg7[%dma_start3A_162] : memref<2x!tpu.dma_semaphore, #tpu.memory_space<semaphore_mem>> -> memref<1x!tpu.dma_semaphore, #tpu.memory_space<semaphore_mem>>
        %dma_start3A_174 = tpu.memref_squeeze %dma_start3A_173 : memref<1x!tpu.dma_semaphore, #tpu.memory_space<semaphore_mem>> -> memref<!tpu.dma_semaphore, #tpu.memory_space<semaphore_mem>>
        tpu.enqueue_indirect_dma source(%dma_start3A_172 : memref<100000x128xf32, #tpu.memory_space<hbm>>) target(%dma_start3A_166 : memref<128x128xf32, #tpu.memory_space<vmem>>) offsets(%dma_start3A_169 : memref<128xi32, #tpu.memory_space<vmem>>) semaphore(%dma_start3A_174 : memref<!tpu.dma_semaphore, #tpu.memory_space<semaphore_mem>>)
      } else {
      }
      %dma_wait3A_74 = arith.constant 0 : i32
      %dma_wait3A_75 = arith.constant 0 : i32
      %dma_wait3A_76 = arith.constant 0 : i32
      %dma_wait3A_77 = arith.constant 0 : i32
      %dma_wait3A_78 = tpu.memref_slice %arg6[%dma_wait3A_74, %dma_wait3A_76, %dma_wait3A_77] : memref<2x128x128xf32, #tpu.memory_space<vmem>> -> memref<1x128x128xf32, #tpu.memory_space<vmem>>
      %dma_wait3A_79 = tpu.memref_squeeze %dma_wait3A_78 : memref<1x128x128xf32, #tpu.memory_space<vmem>> -> memref<128x128xf32, #tpu.memory_space<vmem>>
      %dma_wait3A_80 = arith.constant 0 : i32
      %dma_wait3A_81 = tpu.memref_slice %arg5[%add3A_69, %dma_wait3A_80] : memref<180x128xi32, #tpu.memory_space<vmem>> -> memref<1x128xi32, #tpu.memory_space<vmem>>
      %dma_wait3A_82 = tpu.memref_squeeze %dma_wait3A_81 : memref<1x128xi32, #tpu.memory_space<vmem>> -> memref<128xi32, #tpu.memory_space<vmem>>
      %dma_wait3A_83 = arith.constant 0 : i32
      %dma_wait3A_84 = arith.constant 0 : i32
      %dma_wait3A_85 = tpu.memref_slice %arg3[%dma_wait3A_83, %dma_wait3A_84] : memref<100000x128xf32, #tpu.memory_space<hbm>> -> memref<100000x128xf32, #tpu.memory_space<hbm>>
      %dma_wait3A_86 = tpu.memref_slice %arg7[%dma_wait3A_75] : memref<2x!tpu.dma_semaphore, #tpu.memory_space<semaphore_mem>> -> memref<1x!tpu.dma_semaphore, #tpu.memory_space<semaphore_mem>>
      %dma_wait3A_87 = tpu.memref_squeeze %dma_wait3A_86 : memref<1x!tpu.dma_semaphore, #tpu.memory_space<semaphore_mem>> -> memref<!tpu.dma_semaphore, #tpu.memory_space<semaphore_mem>>
      tpu.wait_indirect_dma semaphore(%dma_wait3A_87 : memref<!tpu.dma_semaphore, #tpu.memory_space<semaphore_mem>>) src(%dma_wait3A_85 : memref<100000x128xf32, #tpu.memory_space<hbm>>) dst(%dma_wait3A_79 : memref<128x128xf32, #tpu.memory_space<vmem>>)
      %add3A_88 = arith.addi %mul3A_2, %add3A_69 : i32
      %dma_start3A_89 = arith.constant 0 : i32
      %dma_start3A_90 = arith.constant 0 : i32
      %dma_start3A_91 = arith.constant 0 : i32
      %dma_start3A_92 = arith.constant 0 : i32
      %dma_start3A_93 = tpu.memref_slice %arg6[%dma_start3A_89, %dma_start3A_91, %dma_start3A_92] : memref<2x128x128xf32, #tpu.memory_space<vmem>> -> memref<1x128x128xf32, #tpu.memory_space<vmem>>
      %dma_start3A_94 = tpu.memref_squeeze %dma_start3A_93 : memref<1x128x128xf32, #tpu.memory_space<vmem>> -> memref<128x128xf32, #tpu.memory_space<vmem>>
      %dma_start3A_95 = arith.constant 0 : i32
      %dma_start3A_96 = arith.constant 0 : i32
      %dma_start3A_97 = tpu.memref_slice %arg4[%add3A_88, %dma_start3A_95, %dma_start3A_96] : memref<5760x128x128xf32, #tpu.memory_space<hbm>> -> memref<1x128x128xf32, #tpu.memory_space<hbm>>
      %dma_start3A_98 = tpu.memref_squeeze %dma_start3A_97 : memref<1x128x128xf32, #tpu.memory_space<hbm>> -> memref<128x128xf32, #tpu.memory_space<hbm>>
      %dma_start3A_99 = tpu.memref_slice %arg8[%dma_start3A_90] : memref<2x!tpu.dma_semaphore, #tpu.memory_space<semaphore_mem>> -> memref<1x!tpu.dma_semaphore, #tpu.memory_space<semaphore_mem>>
      %dma_start3A_100 = tpu.memref_squeeze %dma_start3A_99 : memref<1x!tpu.dma_semaphore, #tpu.memory_space<semaphore_mem>> -> memref<!tpu.dma_semaphore, #tpu.memory_space<semaphore_mem>>
      %dma_start3A_101 = arith.constant 0 : i32
      %dma_start3A_102 = arith.constant 0 : i32
      %dma_start3A_103 = tpu.memref_slice %arg4[%add3A_88, %dma_start3A_101, %dma_start3A_102] : memref<5760x128x128xf32, #tpu.memory_space<hbm>> -> memref<1x128x128xf32, #tpu.memory_space<hbm>>
      %dma_start3A_104 = tpu.memref_squeeze %dma_start3A_103 : memref<1x128x128xf32, #tpu.memory_space<hbm>> -> memref<128x128xf32, #tpu.memory_space<hbm>>
      %dma_start3A_105 = arith.constant 0 : i32
      %dma_start3A_106 = arith.constant 0 : i32
      %dma_start3A_107 = tpu.memref_slice %arg6[%dma_start3A_89, %dma_start3A_105, %dma_start3A_106] : memref<2x128x128xf32, #tpu.memory_space<vmem>> -> memref<1x128x128xf32, #tpu.memory_space<vmem>>
      %dma_start3A_108 = tpu.memref_squeeze %dma_start3A_107 : memref<1x128x128xf32, #tpu.memory_space<vmem>> -> memref<128x128xf32, #tpu.memory_space<vmem>>
      tpu.enqueue_dma source(%dma_start3A_108 : memref<128x128xf32, #tpu.memory_space<vmem>>) target(%dma_start3A_104 : memref<128x128xf32, #tpu.memory_space<hbm>>) target_semaphore(%dma_start3A_100 : memref<!tpu.dma_semaphore, #tpu.memory_space<semaphore_mem>>)
      %add3A_109 = arith.constant 1 : i32
      %add3A_110 = arith.addi %mul3A_67, %add3A_109 : i32
      %add3A_111 = arith.constant 1 : i32
      %add3A_112 = arith.addi %add3A_110, %add3A_111 : i32
      %lt3A_113 = arith.constant 180 : i32
      %lt3A_114 = arith.cmpi slt, %add3A_112, %lt3A_113 : i32
      %convert_element_type3A_115 = arith.extui %lt3A_114 : i1 to i32
      %cond3A_116 = arith.constant 0 : i32
      %cond3A_117 = arith.cmpi ne, %convert_element_type3A_115, %cond3A_116 : i32
      scf.if %cond3A_117 {
        %add3A_153 = arith.constant 1 : i32
        %add3A_154 = arith.addi %add3A_110, %add3A_153 : i32
        %ge3A = arith.constant 2 : i32
        %ge3A_155 = arith.cmpi sge, %add3A_154, %ge3A : i32
        %convert_element_type3A_156 = arith.extui %ge3A_155 : i1 to i32
        %cond3A_157 = arith.constant 0 : i32
        %cond3A_158 = arith.cmpi ne, %convert_element_type3A_156, %cond3A_157 : i32
        scf.if %cond3A_158 {
          %add3A_175 = arith.constant 1 : i32
          %add3A_176 = arith.addi %add3A_110, %add3A_175 : i32
          %sub3A = arith.constant 2 : i32
          %sub3A_177 = arith.subi %add3A_176, %sub3A : i32
          %add3A_178 = arith.addi %mul3A_2, %sub3A_177 : i32
          %dma_wait3A_179 = arith.constant 0 : i32
          %dma_wait3A_180 = arith.constant 0 : i32
          %dma_wait3A_181 = arith.constant 0 : i32
          %dma_wait3A_182 = arith.constant 0 : i32
          %dma_wait3A_183 = tpu.memref_slice %arg6[%dma_wait3A_179, %dma_wait3A_181, %dma_wait3A_182] : memref<2x128x128xf32, #tpu.memory_space<vmem>> -> memref<1x128x128xf32, #tpu.memory_space<vmem>>
          %dma_wait3A_184 = tpu.memref_squeeze %dma_wait3A_183 : memref<1x128x128xf32, #tpu.memory_space<vmem>> -> memref<128x128xf32, #tpu.memory_space<vmem>>
          %dma_wait3A_185 = arith.constant 0 : i32
          %dma_wait3A_186 = arith.constant 0 : i32
          %dma_wait3A_187 = tpu.memref_slice %arg4[%add3A_178, %dma_wait3A_185, %dma_wait3A_186] : memref<5760x128x128xf32, #tpu.memory_space<hbm>> -> memref<1x128x128xf32, #tpu.memory_space<hbm>>
          %dma_wait3A_188 = tpu.memref_squeeze %dma_wait3A_187 : memref<1x128x128xf32, #tpu.memory_space<hbm>> -> memref<128x128xf32, #tpu.memory_space<hbm>>
          %dma_wait3A_189 = tpu.memref_slice %arg8[%dma_wait3A_180] : memref<2x!tpu.dma_semaphore, #tpu.memory_space<semaphore_mem>> -> memref<1x!tpu.dma_semaphore, #tpu.memory_space<semaphore_mem>>
          %dma_wait3A_190 = tpu.memref_squeeze %dma_wait3A_189 : memref<1x!tpu.dma_semaphore, #tpu.memory_space<semaphore_mem>> -> memref<!tpu.dma_semaphore, #tpu.memory_space<semaphore_mem>>
          %dma_wait3A_191 = arith.constant 0 : i32
          %dma_wait3A_192 = arith.constant 0 : i32
          %dma_wait3A_193 = tpu.memref_slice %arg4[%add3A_178, %dma_wait3A_191, %dma_wait3A_192] : memref<5760x128x128xf32, #tpu.memory_space<hbm>> -> memref<1x128x128xf32, #tpu.memory_space<hbm>>
          %dma_wait3A_194 = tpu.memref_squeeze %dma_wait3A_193 : memref<1x128x128xf32, #tpu.memory_space<hbm>> -> memref<128x128xf32, #tpu.memory_space<hbm>>
          %dma_wait3A_195 = arith.constant 0 : i32
          %dma_wait3A_196 = arith.constant 0 : i32
          %dma_wait3A_197 = tpu.memref_slice %arg6[%dma_wait3A_179, %dma_wait3A_195, %dma_wait3A_196] : memref<2x128x128xf32, #tpu.memory_space<vmem>> -> memref<1x128x128xf32, #tpu.memory_space<vmem>>
          %dma_wait3A_198 = tpu.memref_squeeze %dma_wait3A_197 : memref<1x128x128xf32, #tpu.memory_space<vmem>> -> memref<128x128xf32, #tpu.memory_space<vmem>>
          tpu.wait_dma2 semaphore(%dma_wait3A_190 : memref<!tpu.dma_semaphore, #tpu.memory_space<semaphore_mem>>) src(%dma_wait3A_198 : memref<128x128xf32, #tpu.memory_space<vmem>>) dst(%dma_wait3A_194 : memref<128x128xf32, #tpu.memory_space<hbm>>)
        } else {
        }
        %add3A_159 = arith.constant 1 : i32
        %add3A_160 = arith.addi %add3A_110, %add3A_159 : i32
        %dma_start3A_161 = arith.constant 0 : i32
        %dma_start3A_162 = arith.constant 0 : i32
        %dma_start3A_163 = arith.constant 0 : i32
        %dma_start3A_164 = arith.constant 0 : i32
        %dma_start3A_165 = tpu.memref_slice %arg6[%dma_start3A_161, %dma_start3A_163, %dma_start3A_164] : memref<2x128x128xf32, #tpu.memory_space<vmem>> -> memref<1x128x128xf32, #tpu.memory_space<vmem>>
        %dma_start3A_166 = tpu.memref_squeeze %dma_start3A_165 : memref<1x128x128xf32, #tpu.memory_space<vmem>> -> memref<128x128xf32, #tpu.memory_space<vmem>>
        %dma_start3A_167 = arith.constant 0 : i32
        %dma_start3A_168 = tpu.memref_slice %arg5[%add3A_160, %dma_start3A_167] : memref<180x128xi32, #tpu.memory_space<vmem>> -> memref<1x128xi32, #tpu.memory_space<vmem>>
        %dma_start3A_169 = tpu.memref_squeeze %dma_start3A_168 : memref<1x128xi32, #tpu.memory_space<vmem>> -> memref<128xi32, #tpu.memory_space<vmem>>
        %dma_start3A_170 = arith.constant 0 : i32
        %dma_start3A_171 = arith.constant 0 : i32
        %dma_start3A_172 = tpu.memref_slice %arg3[%dma_start3A_170, %dma_start3A_171] : memref<100000x128xf32, #tpu.memory_space<hbm>> -> memref<100000x128xf32, #tpu.memory_space<hbm>>
        %dma_start3A_173 = tpu.memref_slice %arg7[%dma_start3A_162] : memref<2x!tpu.dma_semaphore, #tpu.memory_space<semaphore_mem>> -> memref<1x!tpu.dma_semaphore, #tpu.memory_space<semaphore_mem>>
        %dma_start3A_174 = tpu.memref_squeeze %dma_start3A_173 : memref<1x!tpu.dma_semaphore, #tpu.memory_space<semaphore_mem>> -> memref<!tpu.dma_semaphore, #tpu.memory_space<semaphore_mem>>
        tpu.enqueue_indirect_dma source(%dma_start3A_172 : memref<100000x128xf32, #tpu.memory_space<hbm>>) target(%dma_start3A_166 : memref<128x128xf32, #tpu.memory_space<vmem>>) offsets(%dma_start3A_169 : memref<128xi32, #tpu.memory_space<vmem>>) semaphore(%dma_start3A_174 : memref<!tpu.dma_semaphore, #tpu.memory_space<semaphore_mem>>)
      } else {
      }
      %dma_wait3A_118 = arith.constant 1 : i32
      %dma_wait3A_119 = arith.constant 1 : i32
      %dma_wait3A_120 = arith.constant 0 : i32
      %dma_wait3A_121 = arith.constant 0 : i32
      %dma_wait3A_122 = tpu.memref_slice %arg6[%dma_wait3A_118, %dma_wait3A_120, %dma_wait3A_121] : memref<2x128x128xf32, #tpu.memory_space<vmem>> -> memref<1x128x128xf32, #tpu.memory_space<vmem>>
      %dma_wait3A_123 = tpu.memref_squeeze %dma_wait3A_122 : memref<1x128x128xf32, #tpu.memory_space<vmem>> -> memref<128x128xf32, #tpu.memory_space<vmem>>
      %dma_wait3A_124 = arith.constant 0 : i32
      %dma_wait3A_125 = tpu.memref_slice %arg5[%add3A_110, %dma_wait3A_124] : memref<180x128xi32, #tpu.memory_space<vmem>> -> memref<1x128xi32, #tpu.memory_space<vmem>>
      %dma_wait3A_126 = tpu.memref_squeeze %dma_wait3A_125 : memref<1x128xi32, #tpu.memory_space<vmem>> -> memref<128xi32, #tpu.memory_space<vmem>>
      %dma_wait3A_127 = arith.constant 0 : i32
      %dma_wait3A_128 = arith.constant 0 : i32
      %dma_wait3A_129 = tpu.memref_slice %arg3[%dma_wait3A_127, %dma_wait3A_128] : memref<100000x128xf32, #tpu.memory_space<hbm>> -> memref<100000x128xf32, #tpu.memory_space<hbm>>
      %dma_wait3A_130 = tpu.memref_slice %arg7[%dma_wait3A_119] : memref<2x!tpu.dma_semaphore, #tpu.memory_space<semaphore_mem>> -> memref<1x!tpu.dma_semaphore, #tpu.memory_space<semaphore_mem>>
      %dma_wait3A_131 = tpu.memref_squeeze %dma_wait3A_130 : memref<1x!tpu.dma_semaphore, #tpu.memory_space<semaphore_mem>> -> memref<!tpu.dma_semaphore, #tpu.memory_space<semaphore_mem>>
      tpu.wait_indirect_dma semaphore(%dma_wait3A_131 : memref<!tpu.dma_semaphore, #tpu.memory_space<semaphore_mem>>) src(%dma_wait3A_129 : memref<100000x128xf32, #tpu.memory_space<hbm>>) dst(%dma_wait3A_123 : memref<128x128xf32, #tpu.memory_space<vmem>>)
      %add3A_132 = arith.addi %mul3A_2, %add3A_110 : i32
      %dma_start3A_133 = arith.constant 1 : i32
      %dma_start3A_134 = arith.constant 1 : i32
      %dma_start3A_135 = arith.constant 0 : i32
      %dma_start3A_136 = arith.constant 0 : i32
      %dma_start3A_137 = tpu.memref_slice %arg6[%dma_start3A_133, %dma_start3A_135, %dma_start3A_136] : memref<2x128x128xf32, #tpu.memory_space<vmem>> -> memref<1x128x128xf32, #tpu.memory_space<vmem>>
      %dma_start3A_138 = tpu.memref_squeeze %dma_start3A_137 : memref<1x128x128xf32, #tpu.memory_space<vmem>> -> memref<128x128xf32, #tpu.memory_space<vmem>>
      %dma_start3A_139 = arith.constant 0 : i32
      %dma_start3A_140 = arith.constant 0 : i32
      %dma_start3A_141 = tpu.memref_slice %arg4[%add3A_132, %dma_start3A_139, %dma_start3A_140] : memref<5760x128x128xf32, #tpu.memory_space<hbm>> -> memref<1x128x128xf32, #tpu.memory_space<hbm>>
      %dma_start3A_142 = tpu.memref_squeeze %dma_start3A_141 : memref<1x128x128xf32, #tpu.memory_space<hbm>> -> memref<128x128xf32, #tpu.memory_space<hbm>>
      %dma_start3A_143 = tpu.memref_slice %arg8[%dma_start3A_134] : memref<2x!tpu.dma_semaphore, #tpu.memory_space<semaphore_mem>> -> memref<1x!tpu.dma_semaphore, #tpu.memory_space<semaphore_mem>>
      %dma_start3A_144 = tpu.memref_squeeze %dma_start3A_143 : memref<1x!tpu.dma_semaphore, #tpu.memory_space<semaphore_mem>> -> memref<!tpu.dma_semaphore, #tpu.memory_space<semaphore_mem>>
      %dma_start3A_145 = arith.constant 0 : i32
      %dma_start3A_146 = arith.constant 0 : i32
      %dma_start3A_147 = tpu.memref_slice %arg4[%add3A_132, %dma_start3A_145, %dma_start3A_146] : memref<5760x128x128xf32, #tpu.memory_space<hbm>> -> memref<1x128x128xf32, #tpu.memory_space<hbm>>
      %dma_start3A_148 = tpu.memref_squeeze %dma_start3A_147 : memref<1x128x128xf32, #tpu.memory_space<hbm>> -> memref<128x128xf32, #tpu.memory_space<hbm>>
      %dma_start3A_149 = arith.constant 0 : i32
      %dma_start3A_150 = arith.constant 0 : i32
      %dma_start3A_151 = tpu.memref_slice %arg6[%dma_start3A_133, %dma_start3A_149, %dma_start3A_150] : memref<2x128x128xf32, #tpu.memory_space<vmem>> -> memref<1x128x128xf32, #tpu.memory_space<vmem>>
      %dma_start3A_152 = tpu.memref_squeeze %dma_start3A_151 : memref<1x128x128xf32, #tpu.memory_space<vmem>> -> memref<128x128xf32, #tpu.memory_space<vmem>>
      tpu.enqueue_dma source(%dma_start3A_152 : memref<128x128xf32, #tpu.memory_space<vmem>>) target(%dma_start3A_148 : memref<128x128xf32, #tpu.memory_space<hbm>>) target_semaphore(%dma_start3A_144 : memref<!tpu.dma_semaphore, #tpu.memory_space<semaphore_mem>>)
    }
    %scan3A_21 = arith.constant 90 : i32
    %add3A_22 = arith.constant 178 : i32
    %add3A_23 = arith.addi %mul3A_2, %add3A_22 : i32
    %dma_wait3A = arith.constant 0 : i32
    %dma_wait3A_24 = arith.constant 0 : i32
    %dma_wait3A_25 = arith.constant 0 : i32
    %dma_wait3A_26 = arith.constant 0 : i32
    %dma_wait3A_27 = tpu.memref_slice %arg6[%dma_wait3A, %dma_wait3A_25, %dma_wait3A_26] : memref<2x128x128xf32, #tpu.memory_space<vmem>> -> memref<1x128x128xf32, #tpu.memory_space<vmem>>
    %dma_wait3A_28 = tpu.memref_squeeze %dma_wait3A_27 : memref<1x128x128xf32, #tpu.memory_space<vmem>> -> memref<128x128xf32, #tpu.memory_space<vmem>>
    %dma_wait3A_29 = arith.constant 0 : i32
    %dma_wait3A_30 = arith.constant 0 : i32
    %dma_wait3A_31 = tpu.memref_slice %arg4[%add3A_23, %dma_wait3A_29, %dma_wait3A_30] : memref<5760x128x128xf32, #tpu.memory_space<hbm>> -> memref<1x128x128xf32, #tpu.memory_space<hbm>>
    %dma_wait3A_32 = tpu.memref_squeeze %dma_wait3A_31 : memref<1x128x128xf32, #tpu.memory_space<hbm>> -> memref<128x128xf32, #tpu.memory_space<hbm>>
    %dma_wait3A_33 = tpu.memref_slice %arg8[%dma_wait3A_24] : memref<2x!tpu.dma_semaphore, #tpu.memory_space<semaphore_mem>> -> memref<1x!tpu.dma_semaphore, #tpu.memory_space<semaphore_mem>>
    %dma_wait3A_34 = tpu.memref_squeeze %dma_wait3A_33 : memref<1x!tpu.dma_semaphore, #tpu.memory_space<semaphore_mem>> -> memref<!tpu.dma_semaphore, #tpu.memory_space<semaphore_mem>>
    %dma_wait3A_35 = arith.constant 0 : i32
    %dma_wait3A_36 = arith.constant 0 : i32
    %dma_wait3A_37 = tpu.memref_slice %arg4[%add3A_23, %dma_wait3A_35, %dma_wait3A_36] : memref<5760x128x128xf32, #tpu.memory_space<hbm>> -> memref<1x128x128xf32, #tpu.memory_space<hbm>>
    %dma_wait3A_38 = tpu.memref_squeeze %dma_wait3A_37 : memref<1x128x128xf32, #tpu.memory_space<hbm>> -> memref<128x128xf32, #tpu.memory_space<hbm>>
    %dma_wait3A_39 = arith.constant 0 : i32
    %dma_wait3A_40 = arith.constant 0 : i32
    %dma_wait3A_41 = tpu.memref_slice %arg6[%dma_wait3A, %dma_wait3A_39, %dma_wait3A_40] : memref<2x128x128xf32, #tpu.memory_space<vmem>> -> memref<1x128x128xf32, #tpu.memory_space<vmem>>
    %dma_wait3A_42 = tpu.memref_squeeze %dma_wait3A_41 : memref<1x128x128xf32, #tpu.memory_space<vmem>> -> memref<128x128xf32, #tpu.memory_space<vmem>>
    tpu.wait_dma2 semaphore(%dma_wait3A_34 : memref<!tpu.dma_semaphore, #tpu.memory_space<semaphore_mem>>) src(%dma_wait3A_42 : memref<128x128xf32, #tpu.memory_space<vmem>>) dst(%dma_wait3A_38 : memref<128x128xf32, #tpu.memory_space<hbm>>)
    %add3A_43 = arith.constant 179 : i32
    %add3A_44 = arith.addi %mul3A_2, %add3A_43 : i32
    %dma_wait3A_45 = arith.constant 1 : i32
    %dma_wait3A_46 = arith.constant 1 : i32
    %dma_wait3A_47 = arith.constant 0 : i32
    %dma_wait3A_48 = arith.constant 0 : i32
    %dma_wait3A_49 = tpu.memref_slice %arg6[%dma_wait3A_45, %dma_wait3A_47, %dma_wait3A_48] : memref<2x128x128xf32, #tpu.memory_space<vmem>> -> memref<1x128x128xf32, #tpu.memory_space<vmem>>
    %dma_wait3A_50 = tpu.memref_squeeze %dma_wait3A_49 : memref<1x128x128xf32, #tpu.memory_space<vmem>> -> memref<128x128xf32, #tpu.memory_space<vmem>>
    %dma_wait3A_51 = arith.constant 0 : i32
    %dma_wait3A_52 = arith.constant 0 : i32
    %dma_wait3A_53 = tpu.memref_slice %arg4[%add3A_44, %dma_wait3A_51, %dma_wait3A_52] : memref<5760x128x128xf32, #tpu.memory_space<hbm>> -> memref<1x128x128xf32, #tpu.memory_space<hbm>>
    %dma_wait3A_54 = tpu.memref_squeeze %dma_wait3A_53 : memref<1x128x128xf32, #tpu.memory_space<hbm>> -> memref<128x128xf32, #tpu.memory_space<hbm>>
    %dma_wait3A_55 = tpu.memref_slice %arg8[%dma_wait3A_46] : memref<2x!tpu.dma_semaphore, #tpu.memory_space<semaphore_mem>> -> memref<1x!tpu.dma_semaphore, #tpu.memory_space<semaphore_mem>>
    %dma_wait3A_56 = tpu.memref_squeeze %dma_wait3A_55 : memref<1x!tpu.dma_semaphore, #tpu.memory_space<semaphore_mem>> -> memref<!tpu.dma_semaphore, #tpu.memory_space<semaphore_mem>>
    %dma_wait3A_57 = arith.constant 0 : i32
    %dma_wait3A_58 = arith.constant 0 : i32
    %dma_wait3A_59 = tpu.memref_slice %arg4[%add3A_44, %dma_wait3A_57, %dma_wait3A_58] : memref<5760x128x128xf32, #tpu.memory_space<hbm>> -> memref<1x128x128xf32, #tpu.memory_space<hbm>>
    %dma_wait3A_60 = tpu.memref_squeeze %dma_wait3A_59 : memref<1x128x128xf32, #tpu.memory_space<hbm>> -> memref<128x128xf32, #tpu.memory_space<hbm>>
    %dma_wait3A_61 = arith.constant 0 : i32
    %dma_wait3A_62 = arith.constant 0 : i32
    %dma_wait3A_63 = tpu.memref_slice %arg6[%dma_wait3A_45, %dma_wait3A_61, %dma_wait3A_62] : memref<2x128x128xf32, #tpu.memory_space<vmem>> -> memref<1x128x128xf32, #tpu.memory_space<vmem>>
    %dma_wait3A_64 = tpu.memref_squeeze %dma_wait3A_63 : memref<1x128x128xf32, #tpu.memory_space<vmem>> -> memref<128x128xf32, #tpu.memory_space<vmem>>
    tpu.wait_dma2 semaphore(%dma_wait3A_56 : memref<!tpu.dma_semaphore, #tpu.memory_space<semaphore_mem>>) src(%dma_wait3A_64 : memref<128x128xf32, #tpu.memory_space<vmem>>) dst(%dma_wait3A_60 : memref<128x128xf32, #tpu.memory_space<hbm>>)
    return
  }
}

</mosaic_0001>

<sc_bundles>
// kernel: gather_offload_async_start
scs
__scs_entry_jumppad:
0x0: {  	(pc) =	sbr.rel $0x88, $3  }
0x1: {  	(tag) =	ssettag $0x0;
	lr =	simm.s32 $0x1  }
0x2: {  	[smem:$0x3F9F] =	sst lr;
	_ =	strace $0xD0000000  }
0x3: {  	_ = 	snop  }
0x4: {  	_ = 	snop  }
0x5: {  	_ = 	snop  }
0x6: {  	_ = 	snop  }
0x7: {  	_ = 	snop  }
__scs_overlays_trampoline_lowered:
0x8: {  	[smem:$0x3FAE] =	sst s0  }
0x9: {  	[smem:$0x3FAF] =	sst s1  }
0xa: {  	[smem:$0x3FB0] =	sst s2  }
0xb: {  	[smem:$0x3FB1] =	sst s3  }
0xc: {  	[smem:$0x3FB2] =	sst s4  }
0xd: {  	[smem:$0x3FB3] =	sst s5  }
0xe: {  	[smem:$0x3FB4] =	sst s6  }
0xf: {  	[smem:$0x3FB5] =	sst s7  }
0x10: {  	[smem:$0x3FB6] =	sst s8  }
0x11: {  	[smem:$0x3FB7] =	sst s9;
	s0 =	simm.s32 @!p0 $0x0  }
0x12: {  	s1 =	sld [smem:$0x3F9D];
	s0 =	simm.s32 @p0 $0x1  }
0x13: {  	[smem:$0x3FB8] =	sst s0;
	s0 =	simm.s32 @!p1 $0x0  }
0x14: {  	s2 =	sld [smem:$0x3F9C];
	s0 =	simm.s32 @p1 $0x1  }
0x15: {  	[smem:$0x3FB9] =	sst s0;
	s0 =	simm.s32 @!p2 $0x0  }
0x16: {  	s3 =	sld [smem:$0x3FDB];
	s0 =	simm.s32 @p2 $0x1  }
0x17: {  	s4 =	simm.s32 $0x1BF5;
	[smem:$0x3FBB] =	sst s0  }
0x18: {  	s0 =	sld [smem:$0x3F9E];
	_ =	swait.ge [sflag:s4], $0x0  }
0x19: {  	s7 =	sld [smem:$0x3F9F]  }
0x1a: {  	s8 =	sadd.s32 $0xFFFFE003, lr  }
0x1b: {  	s9 =	sadd.s32 $0xFFFFFEF7, lr;
	s5 =	simm.s32 $0xFFFFFFFF;
	p2 =	slt.u32 s8, $0xFFFFF086  }
0x1c: {  	p1 =	slt.u32 s9, $0xF7A;
	s5 =	simm.s32 @!p2 $0x0  }
0x1d: {  	s5 =	simm.s32 @p1 $0x1;
	p0 =	seq.s32 s7, s2  }
0x1e: {  	s7 =	smul.u32 @!p0 $0xF7A, s2;
	p2 =	seq.s32 @!p0 s5, $0x0  }
0x1f: {  	s9 =	smul.u32 $0xF7A, s1;
	s8 =	simm.s32 @!p0 $0x1BF5;
	p2 =	por !p2, p0  }
0x20: {  	[sflag:s8] =	ssyncset.s32 @!p0 $0xFFFFF086;
	s6 =	sadd.s32 @!p0 s3, s7;
	s7 =	simm.s32 @!p0 $0x108  }
0x21: {  	s3 =	sadd.s32 s3, s9;
	s6 =	sadd.s32 @!p0 $0x88, s6;
	s7 =	simm.s32 @p2 $0x1082  }
0x22: {  	[simem:s7], [sflag:s8] =	dma.local @!p0 [hbm:s6], $0xF7A  }
0x23: {  	s9 =	sor.u32 $0xD0000000, s2;
	s6 =	simm.s32 $0x108;
	_ =	swait.ge @!p0 [sflag:s8], $0x0  }
0x24: {  	s3 =	sadd.s32 $0x88, s3;
	s6 =	simm.s32 @!p1 $0x1082;
	[sflag:s4] =	ssyncset.s32 $0xFFFFF086  }
0x25: {  	[simem:s6], [sflag:s4] =	dma.local [hbm:s3], $0xF7A  }
0x26: {  	[smem:$0x3F9F] =	sst s1;
	(tag) =	ssettag s2;
	_ =	strace s9  }
0x27: {  	s1 =	sld [smem:$0x3FAF]  }
0x28: {  	s2 =	sld [smem:$0x3FB0]  }
0x29: {  	s4 =	sld [smem:$0x3FB2]  }
0x2a: {  	p0 =	seq.s32 s5, $0x0;
	s5 =	sld [smem:$0x3FB3]  }
0x2b: {  	s6 =	sld [smem:$0x3FB4]  }
0x2c: {  	s7 =	sld [smem:$0x3FB5]  }
0x2d: {  	s3 =	simm.s32 $0x108;
	s8 =	sld [smem:$0x3FB6]  }
0x2e: {  	s3 =	simm.s32 @!p0 $0x1082;
	s9 =	sld [smem:$0x3FB7]  }
0x2f: {  	lr =	sadd.s32 s0, s3;
	s0 =	sld [smem:$0x3FAE]  }
0x30: {  	s3 =	sld [smem:$0x3FB1]  }
0x31: {  	[smem:$0x3FBA] =	sst s10  }
0x32: {  	s10 =	sld [smem:$0x3FB8];
	_ =	sdelay $0x3  }
0x33: {  	p0 =	seq.s32 s10, $0x1;
	s10 =	sld [smem:$0x3FBA];
	_ =	sdelay $0x3  }
0x34: {  	[smem:$0x3FBA] =	sst s10  }
0x35: {  	s10 =	sld [smem:$0x3FB9];
	_ =	sdelay $0x3  }
0x36: {  	p1 =	seq.s32 s10, $0x1;
	s10 =	sld [smem:$0x3FBA];
	_ =	sdelay $0x3  }
0x37: {  	[smem:$0x3FBA] =	sst s10  }
0x38: {  	s10 =	sld [smem:$0x3FBB]  }
0x39: {  	_ = 	snop;
	(pc) =	sbr.ind lr, $3  }
0x3a: {  	_ = 	snop  }
0x3b: {  	_ = 	snop  }
0x3c: {  	p2 =	seq.s32 s10, $0x1;
	s10 =	sld [smem:$0x3FBA]  }
0x3d: {  	_ =	shalt  }
0x3e: {  	_ =	shalt  }
0x3f: {  	_ =	shalt  }
0x40: {  	_ =	shalt  }
0x41: {  	_ =	shalt  }
0x42: {  	_ =	shalt  }
0x43: {  	_ =	shalt  }
0x44: {  	_ =	shalt  }
0x45: {  	_ =	shalt  }
0x46: {  	_ =	shalt  }
0x47: {  	_ =	shalt  }
0x48: {  	_ =	shalt  }
0x49: {  	_ =	shalt  }
0x4a: {  	_ =	shalt  }
0x4b: {  	_ =	shalt  }
0x4c: {  	_ =	shalt  }
0x4d: {  	_ =	shalt  }
0x4e: {  	_ =	shalt  }
0x4f: {  	_ =	shalt  }
0x50: {  	_ =	shalt  }
0x51: {  	_ =	shalt  }
0x52: {  	_ =	shalt  }
0x53: {  	_ =	shalt  }
0x54: {  	_ =	shalt  }
0x55: {  	_ =	shalt  }
0x56: {  	_ =	shalt  }
0x57: {  	_ =	shalt  }
0x58: {  	_ =	shalt  }
0x59: {  	_ =	shalt  }
0x5a: {  	_ =	shalt  }
0x5b: {  	_ =	shalt  }
0x5c: {  	_ =	shalt  }
0x5d: {  	_ =	shalt  }
0x5e: {  	_ =	shalt  }
0x5f: {  	_ =	shalt  }
0x60: {  	_ =	shalt  }
0x61: {  	_ =	shalt  }
0x62: {  	_ =	shalt  }
0x63: {  	_ =	shalt  }
0x64: {  	_ =	shalt  }
0x65: {  	_ =	shalt  }
0x66: {  	_ =	shalt  }
0x67: {  	_ =	shalt  }
0x68: {  	_ =	shalt  }
0x69: {  	_ =	shalt  }
0x6a: {  	_ =	shalt  }
0x6b: {  	_ =	shalt  }
0x6c: {  	_ =	shalt  }
0x6d: {  	_ =	shalt  }
0x6e: {  	_ =	shalt  }
0x6f: {  	_ =	shalt  }
0x70: {  	_ =	shalt  }
0x71: {  	_ =	shalt  }
0x72: {  	_ =	shalt  }
0x73: {  	_ =	shalt  }
0x74: {  	_ =	shalt  }
0x75: {  	_ =	shalt  }
0x76: {  	_ =	shalt  }
0x77: {  	_ =	shalt  }
0x78: {  	_ =	shalt  }
0x79: {  	_ =	shalt  }
0x7a: {  	_ =	shalt  }
0x7b: {  	_ =	shalt  }
0x7c: {  	_ =	shalt  }
0x7d: {  	_ =	shalt  }
0x7e: {  	_ =	shalt  }
0x7f: {  	_ =	shalt  }
0x80: {  	_ =	shalt  }
0x81: {  	_ =	shalt  }
0x82: {  	_ =	shalt  }
0x83: {  	_ =	shalt  }
0x84: {  	_ =	shalt  }
0x85: {  	_ =	shalt  }
0x86: {  	_ =	shalt  }
0x87: {  	_ =	shalt  }
.Lfunc_end0:
.L_simem_size_0:
called_computation_lowered:
.L_overlay_start_0:
0x88: {  	s2 =	sld [smem:$0x3FD9]  }
0x89: {  	s3 =	sld [smem:$0x3FFE];
	_ =	sdelay $0x1  }
0x8a: {  	s1 =	srdreg.scid  }
0x8b: {  	s0 =	sand.u32 $0x1, s1  }
0x8c: {  	s17 =	sshll.u32 s0, $0xA;
	s2 =	sadd.s32 s3, s2  }
0x8d: {  	s2 =	sadd.s32 s2, s17  }
0x8e: {  	[smem:$0x3FC6] =	sst s2  }
0x8f: {  	_ = 	snop  }
0x90: {  	s2 =	sld [smem:$0x3FC8]  }
0x91: {  	s18 =	sld [smem:$0x3FD0];
	(tm) =	ssettm $0x1  }
0x92: {  	s4 =	sld [smem:$0x3FFB];
	_ =	sdelay $0x3  }
0x93: {  	_ =	strace s4  }
0x94: {  	s4 =	sld [smem:$0x3FFC];
	_ =	sdelay $0x3  }
0x95: {  	_ =	strace s4  }
0x96: {  	s4 =	sld [smem:$0x3FFD];
	_ =	sdelay $0x3  }
0x97: {  	_ =	strace s4  }
0x98: {  	_ =	strace $0x8FFFFFFF  }
0x99: {  	s19 =	sld [smem:$0x3FDB];
	_ =	sdelay $0x1  }
0x9a: {  	s5 =	simm.s32 $_scs_section_size  }
0x9b: {  	s6 =	simm.s32 $_size__tile_overlayer_lowered;
	s7 =	simm.s32 $_tile_overlayer_lowered  }
0x9c: {  	s22 =	simm.s32 $0x1BFF;
	s21 =	sshll.u32 s7, $0x1;
	s4 =	sadd.s32 s5, s19  }
0x9d: {  	s8 =	simm.s32 $0x0;
	s20 =	sshll.u32 s6, $0x1;
	s6 =	sadd.s32 s21, s4  }
0x9e: {  	[timem:s8], [sflag:s22] =	dma.local [hbm:s6], s20  }
0x9f: {  	_ =	swait.ge [sflag:s22], s20  }
0xa0: {  	s5 =	ssub.s32 $0x0, s20;
	[sflag:s22] =	ssyncset.done $0x0  }
0xa1: {  	[sflag:s22] =	ssyncadd.s32 s5;
	_ =	sdelay $0x1  }
0xa2: {  	s23 =	simm.s32 $0x1B8B  }
0xa3: {  	_ =	swait.ge [sflag:s23], $0x1  }
0xa4: {  	[sflag:s23] =	ssyncset.done $0x0  }
0xa5: {  	s25 =	simm.s32 $0x1B8E;
	s24 =	sld [smem:$0x3FFE];
	[sflag:s23] =	ssyncadd.s32 $0xFFFFFFFF  }
0xa6: {  	s26 =	simm.s32 $execute0_lowered;
	[smem:$0x3FD2] =	sst s25  }
0xa7: {  	s6 =	sshll.u32 s26, $0x1;
	_ =	strace $0x80000046;
	[dreg:$0x1] =	wrdreg $0xFFFFFFFF  }
0xa8: {  	s28 =	simm.s32 $_size_execute0_lowered;
	s4 =	sadd.s32 s4, s6;
	[dreg:$0x0] =	wrdreg $0x0  }
0xa9: {  	s6 =	sshll.u32 s28, $0x1;
	[dreg:$0x2] =	wrdreg s4  }
0xaa: {  	[dreg:$0x3] =	wrdreg s6  }
0xab: {  	[dreg:$0x4] =	wrdreg $0xC0  }
0xac: {  	_ =	task [dreg:s8], $0x5FFFF  }
0xad: {  	[dreg:$0x1] =	wrdreg $0xFFFFFFFF  }
0xae: {  	[dreg:$0x0] =	wrdreg $0x60  }
0xaf: {  	[dreg:$0x2] =	wrdreg s2  }
0xb0: {  	[dreg:$0x3] =	wrdreg s24  }
0xb1: {  	[dreg:$0x4] =	wrdreg s18  }
0xb2: {  	[dreg:$0x5] =	wrdreg $0x9  }
0xb3: {  	_ =	task.clear_ibuf [dreg:s8], $0x6FFFF;
	_ =	strace $0x90000046  }
0xb4: {  	s29 =	simm.s32 $0x9;
	_ =	strace $0x80000048  }
0xb5: {  	_ =	swait.ge [sflag:s29], $0x1  }
0xb6: {  	[sflag:s29] =	ssyncadd.s32 $0xFFFFFFFF  }
0xb7: {  	_ =	strace $0x90000048  }
0xb8: {  	_ =	sfence  }
0xb9: {  	s30 =	sld [smem:$0x0];
	_ =	sdelay $0x2  }
0xba: {  	s31 =	sshll.u32 s1, $0xD;
	s1 =	sshrl.u32 s1, $0x2  }
0xbb: {  	s3 =	sand.u32 $0x4000, s31;
	s1 =	sadd.s32 s1, s30  }
0xbc: {  	s0 =	sor.u32 s3, s0;
	s1 =	sshll.u32 s1, $0x11  }
0xbd: {  	s0 =	sor.u32 s1, s0  }
0xbe: {  	s0 =	sadd.s32 $0x8F2B, s0  }
0xbf: {  	[sflag:s0] =	ssyncadd.remote.s32 $0x1  }
0xc0: {  	_ =	sfence.sel $0xFFFF  }
0xc1: {  	[dreg:$0x0] =	wrdreg $0xFFFFFFFF;
	(pc) =	sbr.abs _section_cstart, $3  }
0xc2: {  	[dreg:$0x1] =	wrdreg $0xFFFFFFFF  }
0xc3: {  	_ =	task.clear_ibuf [dreg:s8], $0x2FFFF;
	_ =	strace $0x9FFFFFFF  }
0xc4: {  	(tm) =	ssettm $0x7FFFFFFF  }
0xc5: {  	_ =	shalt  }
tec
execute0_lowered:
.L_overlay_start_1:
0x0: {  	(tag) =	ssettag $0x1  }
0x1: {  	s2 =	rddreg [dreg:$0x0]  }
0x2: {  	s7 =	rddreg [dreg:$0x1];
	s0 =	srdreg.scid  }
0x3: {  	s3 =	rddreg [dreg:$0x2];
	s1 =	stileid.u32;
	s6 =	simm.s32 $0x2  }
0x4: {  	s4 =	sshll.u32 s0, $0x4;
	s0 =	rddreg [dreg:$0x3];
	_ =	strace $0x80000047  }
.Ltmp0:
0x5: {  	s5 =	sand.u32 $0x10, s4;
	s4 =	simm.s32 $0x1;
	(pc) =	sbr.rel .LBB2_1-.Ltmp0, $4  }
0x6: {  	s9 =	simm.s32 $0x3;
	s5 =	sor.u32 s1, s5;
	[sflag:s4] =	ssyncpa.u1 $0x0  }
0x7: {  	s11 =	simm.s32 $0x0;
	s5 =	smul.u32 $0xA00, s5;
	[sflag:s6] =	ssyncpa.u1 $0x0  }
0x8: {  	p0 =	por $0x0, $0x0;
	s7 =	sadd.s32 $0x19A00, s7;
	[sflag:s9] =	ssyncpa.u1 $0x0  }
0x9: {  	vm0 =	vmmov $0xff;
	vm1 =	vcmask $0x3F20;
	s9 =	simm.s32 $0x0;
	s8 =	sadd.s32 $0xA00, s5;
	s10 =	smov.u32 s5  }
.LBB2_6:
0xa: {  	[hbm:s15] =	stream.linear.scatter [tilespmem:s12], [sflag:$0x3], $0x400, $0x38;
	[tilespmem:$0x10200] =	vst v63  }
.LBB2_7:
0xb: {  	p1 =	slt.u32 s9, $0x2;
	s11 =	sadd.s32 $0x100, s10  }
0xc: {  	s13 =	smov.u32 s5;
	s9 =	sadd.s32 $0x1, s9;
	p2 =	slt.s32 s11, s8  }
0xd: {  	s13 =	smov.u32 @p2 s11;
	p2 =	sne.s32 s9, $0xC  }
.Ltmp1:
0xe: {  	_ = 	snop;
	(pc) =	sbr.rel @!p2 .LBB2_8-.Ltmp1, $4  }
0xf: {  	s12 =	simm.s32 @!p1 $0x3  }
0x10: {  	_ =	swait.ge @!p1 [sflag:s12], $0x8000  }
0x11: {  	p0 =	por !p0, !p0;
	[sflag:s12] =	ssyncset.done @!p1 $0x0  }
0x12: {  	s11 =	smov.u32 s10;
	s10 =	smov.u32 s13;
	[sflag:s12] =	ssyncadd.s32 @!p1 $0xFFFF8000  }
.LBB2_1:
0x13: {  	p1 =	sgt.u32 s9, $0x9  }
0x14: {  	s12 =	sxor.u32 @!p1 $0xFFFFFFFF, s9  }
0x15: {  	s31 =	sadd.s32 $0xFFFFFFFF, s9;
	s13 =	sshrl.u32 @!p1 s10, $0x3;
	s12 =	sshll.u32 @!p1 s12, $0x8  }
0x16: {  	s14 =	sand.u32 @!p1 $0x7, s10;
	s13 =	sadd.s32 @!p1 s7, s13;
	s12 =	sand.u32 @!p1 $0x100, s12  }
0x17: {  	[tilespmem:s12], [sflag:$0x2] =	stream.linear.gather @!p1 [hbm4b:s13+s14], $0x100, $0x38;
	[tilespmem:$0x10200] =	vst v63  }
0x18: {  	p1 =	sgt.u32 s31, $0x9  }
.Ltmp2:
0x19: {  	_ = 	snop;
	(pc) =	sbr.rel @p1 .LBB2_7-.Ltmp2, $1  }
0x1a: {  	_ =	sdelay $0x3  }
0x1b: {  	s12 =	simm.s32 $0x1  }
0x1c: {  	_ =	swait.ge [sflag:s6], $0x100;
	s12 =	simm.s32 @!p0 $0x0  }
0x1d: {  	[sflag:s6] =	ssyncset.done $0x0;
	s14 =	sshll.u32 s12, $0x8  }
0x1e: {  	[sflag:s6] =	ssyncadd.s32 $0xFFFFFF00;
	s13 =	sadd.s32 $0x0, s14  }
0x1f: {  	v0 =	vld.msk [tilespmem:s13+$0x0 ss:$0x1], $0xffff;
	_ =	sdelay $0x4  }
0x20: {  	vm2 =	vgt.s32 v0, $0x0  }
0x21: {  	v0 =	vnsel vm2, $0x0, v0  }
0x22: {  	v0 =	vmin.u32 v0, $0x1869F  }
0x23: {  	v0 =	vshll.u32 v0, $0x4;
	_ =	sdelay $0x2  }
0x24: {  	s12 =	sshll.u32 s12, $0xF  }
0x25: {  	s12 =	sor.u32 $0x200, s12  }
0x26: {  	[tilespmem:s12], [sflag:$0x1] =	stream.indirect_vreg.gather [hbm:s2], $0x80, v0, vm0, $0x38;
	[tilespmem:$0x10200] =	vst v63  }
0x27: {  	s15 =	sadd.s32 $0x10, s14;
	s13 =	sadd.s32 $0x400, s12  }
0x28: {  	[tilespmem:s13], [sflag:$0x1] =	stream.indirect_vreg.gather [hbm:s2], $0x80, v0, vm1, $0x38;
	[tilespmem:$0x10200] =	vst v63  }
0x29: {  	s16 =	simm.s32 $0x80;
	v0 =	vld.msk [tilespmem:s15+$0x0 ss:$0x1], $0xffff;
	s15 =	smov.u32 s12  }
.LBB2_3:
0x2a: {  	p1 =	sne.s32 s16, $0x3C0;
	_ =	sdelay $0x4  }
0x2b: {  	vm2 =	vgt.s32 v0, $0x0  }
0x2c: {  	v0 =	vnsel vm2, $0x0, v0  }
0x2d: {  	v0 =	vmin.u32 v0, $0x1869F  }
0x2e: {  	v0 =	vshll.u32 v0, $0x4;
	_ =	sdelay $0x3  }
.Ltmp3:
0x2f: {  	s17 =	sshra.s32 s16, $0x2;
	s15 =	sadd.s32 $0x800, s15;
	(pc) =	sbr.rel @p1 .LBB2_3-.Ltmp3, $4  }
0x30: {  	[tilespmem:s15], [sflag:$0x1] =	stream.indirect_vreg.gather [hbm:s2], $0x80, v0, vm0, $0x38;
	[tilespmem:$0x10200] =	vst v63  }
0x31: {  	s17 =	sadd.s32 s17, s14;
	s18 =	sadd.s32 $0x400, s15  }
0x32: {  	[tilespmem:s18], [sflag:$0x1] =	stream.indirect_vreg.gather [hbm:s2], $0x80, v0, vm1, $0x38;
	[tilespmem:$0x10200] =	vst v63  }
0x33: {  	s16 =	sadd.s32 $0x40, s16;
	v0 =	vld.msk [tilespmem:s17+$0x0 ss:$0x1], $0xffff  }
0x34: {  	_ =	sdelay $0x3  }
0x35: {  	vm2 =	vgt.s32 v0, $0x0  }
0x36: {  	v0 =	vnsel vm2, $0x0, v0  }
0x37: {  	v0 =	vmin.u32 v0, $0x1869F  }
0x38: {  	v0 =	vshll.u32 v0, $0x4;
	_ =	sdelay $0x3  }
0x39: {  	s14 =	sadd.s32 $0x800, s15  }
0x3a: {  	[tilespmem:s14], [sflag:$0x1] =	stream.indirect_vreg.gather [hbm:s2], $0x80, v0, vm0, $0x38;
	[tilespmem:$0x10200] =	vst v63  }
0x3b: {  	s14 =	sadd.s32 $0x400, s14  }
0x3c: {  	[tilespmem:s14], [sflag:$0x1] =	stream.indirect_vreg.gather [hbm:s2], $0x80, v0, vm1, $0x38;
	[tilespmem:$0x10200] =	vst v63  }
0x3d: {  	s11 =	sshll.u32 s11, $0x4;
	_ =	swait.ge [sflag:s4], $0x8000  }
0x3e: {  	s11 =	sadd.s32 s11, s3;
	[sflag:s4] =	ssyncset.done $0x0  }
0x3f: {  	s15 =	sadd.s32 $0x0, s11;
	s14 =	simm.s32 $0x80;
	[sflag:s4] =	ssyncadd.s32 $0xFFFF8000  }
.LBB2_5:
0x40: {  	[hbm:s15] =	stream.linear.scatter [tilespmem:s12], [sflag:$0x3], $0x400, $0x38;
	[tilespmem:$0x10200] =	vst v63  }
0x41: {  	s15 =	smov.u32 s14;
	s12 =	smov.u32 s13;
	p1 =	sne.s32 s14, $0xF80  }
.Ltmp4:
0x42: {  	s14 =	sadd.s32 $0x80, s14;
	(pc) =	sbr.rel @p1 .LBB2_5-.Ltmp4, $2  }
0x43: {  	_ =	sdelay $0x2  }
0x44: {  	s13 =	sadd.s32 $0x400, s13;
	s15 =	sadd.s32 s15, s11  }
.Ltmp5:
0x45: {  	_ = 	snop;
	(pc) =	sbr.rel .LBB2_6-.Ltmp5, $1  }
0x46: {  	_ =	sdelay $0x3  }
.LBB2_8:
0x47: {  	_ =	sfence.sel $0x180000  }
0x48: {  	s2 =	simm.s32 $0x2;
	[bflag:$0x0] =	sbarrier.arrive $0xFFFF  }
0x49: {  	s30 =	simm.s32 $0x3;
	[sflag:s2] =	ssyncpa.u1 $0x1  }
0x4a: {  	s31 =	simm.s32 $0x1;
	[sflag:s30] =	ssyncpa.u1 $0x1  }
0x4b: {  	[sflag:s31] =	ssyncpa.u1 $0x1  }
0x4c: {  	p0 =	sne.s32 s1, $0x0;
	_ =	strace $0x90000047  }
0x4d: {  	s0 =	sadd.s32 @!p0 $0x100000, s0;
	[bflag:$0x2] =	sbarrier.arrive $0xFFFF  }
0x4e: {  	[sflag:s0] =	ssyncadd.tile.s32 @!p0 $0x1;
	_ =	shalt  }
.Lfunc_end2:
_tile_overlayer_lowered:
.L_overlay_start_2:
0x4f: {  	(tag) =	ssettag $0x2  }
0x50: {  	s0 =	rddreg [dreg:$0x0];
	s2 =	stileid.u32  }
0x51: {  	s1 =	rddreg [dreg:$0x1];
	p0 =	sne.s32 s2, $0x0  }
0x52: {  	s3 =	rddreg [dreg:$0x2];
	[bflag:$0x3] =	sbarrier.arrive $0xFFFF;
	s2 =	simm.s32 @!p0 $0x1C01  }
0x53: {  	[timem:s3], [sflag:s2] =	dma.local @!p0 [hbm:s0], s1  }
0x54: {  	s0 =	simm.s32 @!p0 $0x1  }
0x55: {  	_ =	swait.ge @!p0 [sflag:s0], s1  }
0x56: {  	s1 =	ssub.s32 @!p0 $0x0, s1;
	[sflag:s0] =	ssyncset.done @!p0 $0x0  }
0x57: {  	[sflag:s0] =	ssyncadd.s32 @!p0 s1  }
0x58: {  	[bflag:$0x3] =	sbarrier.arrive $0xFFFF  }
0x59: {  	_ =	shalt  }

// kernel: kernel.3.cloned.1.call-start
scs
__scs_entry_jumppad:
0x0: {  	(pc) =	sbr.rel $0x88, $3  }
0x1: {  	(tag) =	ssettag $0x0;
	lr =	simm.s32 $0x1  }
0x2: {  	[smem:$0x3F9F] =	sst lr;
	_ =	strace $0xD0000000  }
0x3: {  	_ = 	snop  }
0x4: {  	_ = 	snop  }
0x5: {  	_ = 	snop  }
0x6: {  	_ = 	snop  }
0x7: {  	_ = 	snop  }
__scs_overlays_trampoline_lowered:
0x8: {  	[smem:$0x3FAE] =	sst s0  }
0x9: {  	[smem:$0x3FAF] =	sst s1  }
0xa: {  	[smem:$0x3FB0] =	sst s2  }
0xb: {  	[smem:$0x3FB1] =	sst s3  }
0xc: {  	[smem:$0x3FB2] =	sst s4  }
0xd: {  	[smem:$0x3FB3] =	sst s5  }
0xe: {  	[smem:$0x3FB4] =	sst s6  }
0xf: {  	[smem:$0x3FB5] =	sst s7  }
0x10: {  	[smem:$0x3FB6] =	sst s8  }
0x11: {  	[smem:$0x3FB7] =	sst s9;
	s0 =	simm.s32 @!p0 $0x0  }
0x12: {  	s1 =	sld [smem:$0x3F9D];
	s0 =	simm.s32 @p0 $0x1  }
0x13: {  	[smem:$0x3FB8] =	sst s0;
	s0 =	simm.s32 @!p1 $0x0  }
0x14: {  	s2 =	sld [smem:$0x3F9C];
	s0 =	simm.s32 @p1 $0x1  }
0x15: {  	[smem:$0x3FB9] =	sst s0;
	s0 =	simm.s32 @!p2 $0x0  }
0x16: {  	s3 =	sld [smem:$0x3FDB];
	s0 =	simm.s32 @p2 $0x1  }
0x17: {  	s4 =	simm.s32 $0x1BF5;
	[smem:$0x3FBB] =	sst s0  }
0x18: {  	s0 =	sld [smem:$0x3F9E];
	_ =	swait.ge [sflag:s4], $0x0  }
0x19: {  	s7 =	sld [smem:$0x3F9F]  }
0x1a: {  	s8 =	sadd.s32 $0xFFFFE003, lr  }
0x1b: {  	s9 =	sadd.s32 $0xFFFFFEF7, lr;
	s5 =	simm.s32 $0xFFFFFFFF;
	p2 =	slt.u32 s8, $0xFFFFF086  }
0x1c: {  	p1 =	slt.u32 s9, $0xF7A;
	s5 =	simm.s32 @!p2 $0x0  }
0x1d: {  	s5 =	simm.s32 @p1 $0x1;
	p0 =	seq.s32 s7, s2  }
0x1e: {  	s7 =	smul.u32 @!p0 $0xF7A, s2;
	p2 =	seq.s32 @!p0 s5, $0x0  }
0x1f: {  	s9 =	smul.u32 $0xF7A, s1;
	s8 =	simm.s32 @!p0 $0x1BF5;
	p2 =	por !p2, p0  }
0x20: {  	[sflag:s8] =	ssyncset.s32 @!p0 $0xFFFFF086;
	s6 =	sadd.s32 @!p0 s3, s7;
	s7 =	simm.s32 @!p0 $0x108  }
0x21: {  	s3 =	sadd.s32 s3, s9;
	s6 =	sadd.s32 @!p0 $0x88, s6;
	s7 =	simm.s32 @p2 $0x1082  }
0x22: {  	[simem:s7], [sflag:s8] =	dma.local @!p0 [hbm:s6], $0xF7A  }
0x23: {  	s9 =	sor.u32 $0xD0000000, s2;
	s6 =	simm.s32 $0x108;
	_ =	swait.ge @!p0 [sflag:s8], $0x0  }
0x24: {  	s3 =	sadd.s32 $0x88, s3;
	s6 =	simm.s32 @!p1 $0x1082;
	[sflag:s4] =	ssyncset.s32 $0xFFFFF086  }
0x25: {  	[simem:s6], [sflag:s4] =	dma.local [hbm:s3], $0xF7A  }
0x26: {  	[smem:$0x3F9F] =	sst s1;
	(tag) =	ssettag s2;
	_ =	strace s9  }
0x27: {  	s1 =	sld [smem:$0x3FAF]  }
0x28: {  	s2 =	sld [smem:$0x3FB0]  }
0x29: {  	s4 =	sld [smem:$0x3FB2]  }
0x2a: {  	p0 =	seq.s32 s5, $0x0;
	s5 =	sld [smem:$0x3FB3]  }
0x2b: {  	s6 =	sld [smem:$0x3FB4]  }
0x2c: {  	s7 =	sld [smem:$0x3FB5]  }
0x2d: {  	s3 =	simm.s32 $0x108;
	s8 =	sld [smem:$0x3FB6]  }
0x2e: {  	s3 =	simm.s32 @!p0 $0x1082;
	s9 =	sld [smem:$0x3FB7]  }
0x2f: {  	lr =	sadd.s32 s0, s3;
	s0 =	sld [smem:$0x3FAE]  }
0x30: {  	s3 =	sld [smem:$0x3FB1]  }
0x31: {  	[smem:$0x3FBA] =	sst s10  }
0x32: {  	s10 =	sld [smem:$0x3FB8];
	_ =	sdelay $0x3  }
0x33: {  	p0 =	seq.s32 s10, $0x1;
	s10 =	sld [smem:$0x3FBA];
	_ =	sdelay $0x3  }
0x34: {  	[smem:$0x3FBA] =	sst s10  }
0x35: {  	s10 =	sld [smem:$0x3FB9];
	_ =	sdelay $0x3  }
0x36: {  	p1 =	seq.s32 s10, $0x1;
	s10 =	sld [smem:$0x3FBA];
	_ =	sdelay $0x3  }
0x37: {  	[smem:$0x3FBA] =	sst s10  }
0x38: {  	s10 =	sld [smem:$0x3FBB]  }
0x39: {  	_ = 	snop;
	(pc) =	sbr.ind lr, $3  }
0x3a: {  	_ = 	snop  }
0x3b: {  	_ = 	snop  }
0x3c: {  	p2 =	seq.s32 s10, $0x1;
	s10 =	sld [smem:$0x3FBA]  }
0x3d: {  	_ =	shalt  }
0x3e: {  	_ =	shalt  }
0x3f: {  	_ =	shalt  }
0x40: {  	_ =	shalt  }
0x41: {  	_ =	shalt  }
0x42: {  	_ =	shalt  }
0x43: {  	_ =	shalt  }
0x44: {  	_ =	shalt  }
0x45: {  	_ =	shalt  }
0x46: {  	_ =	shalt  }
0x47: {  	_ =	shalt  }
0x48: {  	_ =	shalt  }
0x49: {  	_ =	shalt  }
0x4a: {  	_ =	shalt  }
0x4b: {  	_ =	shalt  }
0x4c: {  	_ =	shalt  }
0x4d: {  	_ =	shalt  }
0x4e: {  	_ =	shalt  }
0x4f: {  	_ =	shalt  }
0x50: {  	_ =	shalt  }
0x51: {  	_ =	shalt  }
0x52: {  	_ =	shalt  }
0x53: {  	_ =	shalt  }
0x54: {  	_ =	shalt  }
0x55: {  	_ =	shalt  }
0x56: {  	_ =	shalt  }
0x57: {  	_ =	shalt  }
0x58: {  	_ =	shalt  }
0x59: {  	_ =	shalt  }
0x5a: {  	_ =	shalt  }
0x5b: {  	_ =	shalt  }
0x5c: {  	_ =	shalt  }
0x5d: {  	_ =	shalt  }
0x5e: {  	_ =	shalt  }
0x5f: {  	_ =	shalt  }
0x60: {  	_ =	shalt  }
0x61: {  	_ =	shalt  }
0x62: {  	_ =	shalt  }
0x63: {  	_ =	shalt  }
0x64: {  	_ =	shalt  }
0x65: {  	_ =	shalt  }
0x66: {  	_ =	shalt  }
0x67: {  	_ =	shalt  }
0x68: {  	_ =	shalt  }
0x69: {  	_ =	shalt  }
0x6a: {  	_ =	shalt  }
0x6b: {  	_ =	shalt  }
0x6c: {  	_ =	shalt  }
0x6d: {  	_ =	shalt  }
0x6e: {  	_ =	shalt  }
0x6f: {  	_ =	shalt  }
0x70: {  	_ =	shalt  }
0x71: {  	_ =	shalt  }
0x72: {  	_ =	shalt  }
0x73: {  	_ =	shalt  }
0x74: {  	_ =	shalt  }
0x75: {  	_ =	shalt  }
0x76: {  	_ =	shalt  }
0x77: {  	_ =	shalt  }
0x78: {  	_ =	shalt  }
0x79: {  	_ =	shalt  }
0x7a: {  	_ =	shalt  }
0x7b: {  	_ =	shalt  }
0x7c: {  	_ =	shalt  }
0x7d: {  	_ =	shalt  }
0x7e: {  	_ =	shalt  }
0x7f: {  	_ =	shalt  }
0x80: {  	_ =	shalt  }
0x81: {  	_ =	shalt  }
0x82: {  	_ =	shalt  }
0x83: {  	_ =	shalt  }
0x84: {  	_ =	shalt  }
0x85: {  	_ =	shalt  }
0x86: {  	_ =	shalt  }
0x87: {  	_ =	shalt  }
.Lfunc_end0:
.L_simem_size_0:
called_computation.1_lowered:
.L_overlay_start_0:
0x88: {  	s2 =	sld [smem:$0x3FD9]  }
0x89: {  	s3 =	sld [smem:$0x3FFE];
	_ =	sdelay $0x1  }
0x8a: {  	s1 =	srdreg.scid  }
0x8b: {  	s0 =	sand.u32 $0x1, s1  }
0x8c: {  	s17 =	sshll.u32 s0, $0xA;
	s2 =	sadd.s32 s3, s2  }
0x8d: {  	s2 =	sadd.s32 s2, s17  }
0x8e: {  	[smem:$0x3FC6] =	sst s2  }
0x8f: {  	_ = 	snop  }
0x90: {  	s18 =	sld [smem:$0x3FC8];
	(tm) =	ssettm $0x1  }
0x91: {  	s19 =	sld [smem:$0x3FFB];
	_ =	sdelay $0x3  }
0x92: {  	_ =	strace s19  }
0x93: {  	s2 =	sld [smem:$0x3FFC];
	_ =	sdelay $0x3  }
0x94: {  	_ =	strace s2  }
0x95: {  	s2 =	sld [smem:$0x3FFD];
	_ =	sdelay $0x3  }
0x96: {  	_ =	strace s2  }
0x97: {  	_ =	strace $0x8FFFFFFF  }
0x98: {  	s20 =	sld [smem:$0x3FDB];
	_ =	sdelay $0x1  }
0x99: {  	s4 =	simm.s32 $_scs_section_size  }
0x9a: {  	s5 =	simm.s32 $_size__tile_overlayer_lowered;
	s6 =	simm.s32 $_tile_overlayer_lowered  }
0x9b: {  	s7 =	simm.s32 $0x1BFF;
	s21 =	sshll.u32 s6, $0x1;
	s4 =	sadd.s32 s4, s20  }
0x9c: {  	s22 =	simm.s32 $0x0;
	s5 =	sshll.u32 s5, $0x1;
	s6 =	sadd.s32 s21, s4  }
0x9d: {  	[timem:s22], [sflag:s7] =	dma.local [hbm:s6], s5  }
0x9e: {  	_ =	swait.ge [sflag:s7], s5  }
0x9f: {  	s5 =	ssub.s32 $0x0, s5;
	[sflag:s7] =	ssyncset.done $0x0  }
0xa0: {  	[sflag:s7] =	ssyncadd.s32 s5;
	_ =	sdelay $0x1  }
0xa1: {  	s23 =	simm.s32 $0x1B8B  }
0xa2: {  	_ =	swait.ge [sflag:s23], $0x1  }
0xa3: {  	[sflag:s23] =	ssyncset.done $0x0  }
0xa4: {  	[sflag:s23] =	ssyncadd.s32 $0xFFFFFFFF  }
0xa5: {  	s5 =	sld [smem:$0x0]  }
0xa6: {  	s6 =	sand.u32 $0xFFFFFFFE, s1  }
0xa7: {  	p0 =	sne.s32 s1, s6  }
0xa8: {  	s6 =	sshll.u32 @p0 s6, $0xE  }
0xa9: {  	s6 =	sadd.s32 @p0 $0x11B8D, s6;
	s7 =	sshll.u32 @p0 s5, $0x11  }
0xaa: {  	s6 =	sor.u32 @p0 s7, s6  }
0xab: {  	[sflag:s6] =	ssyncadd.remote.s32 @p0 $0x1;
	_ =	sdelay $0x1  }
0xac: {  	s6 =	simm.s32 @p0 $0x1B8D  }
0xad: {  	_ =	swait.eq @p0 [sflag:s6], $0x1  }
0xae: {  	[sflag:s6] =	ssyncadd.s32 @p0 $0xFFFFFFFF  }
0xaf: {  	s7 =	sshll.u32 @!p0 s1, $0xE  }
0xb0: {  	s7 =	sor.u32 @!p0 $0x4000, s7;
	s6 =	simm.s32 @!p0 $0x1B8D  }
0xb1: {  	s5 =	sshll.u32 @!p0 s5, $0x11;
	s7 =	sadd.s32 @!p0 $0x11B8D, s7;
	_ =	swait.eq @!p0 [sflag:s6], $0x1  }
0xb2: {  	s5 =	sor.u32 @!p0 s5, s7;
	[sflag:s6] =	ssyncadd.s32 @!p0 $0xFFFFFFFF  }
0xb3: {  	s25 =	simm.s32 $0x1B8E;
	s24 =	sld [smem:$0x3FFE];
	[sflag:s5] =	ssyncadd.remote.s32 @!p0 $0x1  }
0xb4: {  	s26 =	simm.s32 $execute0_lowered;
	[smem:$0x3FD2] =	sst s25  }
0xb5: {  	s6 =	sshll.u32 s26, $0x1;
	_ =	strace $0x80000049;
	[dreg:$0x1] =	wrdreg $0xFFFFFFFF  }
0xb6: {  	s28 =	simm.s32 $_size_execute0_lowered;
	s4 =	sadd.s32 s4, s6;
	[dreg:$0x0] =	wrdreg $0x0  }
0xb7: {  	s6 =	sshll.u32 s28, $0x1;
	[dreg:$0x2] =	wrdreg s4  }
0xb8: {  	[dreg:$0x3] =	wrdreg s6  }
0xb9: {  	[dreg:$0x4] =	wrdreg $0xC0  }
0xba: {  	_ =	task [dreg:s22], $0x5FFFF  }
0xbb: {  	[dreg:$0x1] =	wrdreg $0xFFFFFFFF  }
0xbc: {  	[dreg:$0x0] =	wrdreg $0x60  }
0xbd: {  	[dreg:$0x2] =	wrdreg s24  }
0xbe: {  	[dreg:$0x3] =	wrdreg s18  }
0xbf: {  	[dreg:$0x4] =	wrdreg $0xA  }
0xc0: {  	_ =	task.clear_ibuf [dreg:s22], $0x5FFFF;
	_ =	strace $0x90000049  }
0xc1: {  	s29 =	simm.s32 $0xA;
	_ =	strace $0x8000004B  }
0xc2: {  	_ =	swait.ge [sflag:s29], $0x1  }
0xc3: {  	[sflag:s29] =	ssyncadd.s32 $0xFFFFFFFF  }
0xc4: {  	_ =	strace $0x9000004B  }
0xc5: {  	_ =	sfence  }
0xc6: {  	s30 =	sld [smem:$0x0];
	_ =	sdelay $0x2  }
0xc7: {  	s31 =	sshll.u32 s1, $0xD;
	s1 =	sshrl.u32 s1, $0x2  }
0xc8: {  	s4 =	sand.u32 $0x4000, s31;
	s1 =	sadd.s32 s1, s30  }
0xc9: {  	s0 =	sor.u32 s4, s0;
	s1 =	sshll.u32 s1, $0x11  }
0xca: {  	s0 =	sor.u32 s1, s0  }
0xcb: {  	s0 =	sadd.s32 $0x8F2B, s0  }
0xcc: {  	[sflag:s0] =	ssyncadd.remote.s32 $0x1  }
0xcd: {  	_ =	sfence.sel $0xFFFF  }
0xce: {  	[dreg:$0x0] =	wrdreg $0xFFFFFFFF;
	(pc) =	sbr.abs _section_cstart, $3  }
0xcf: {  	[dreg:$0x1] =	wrdreg $0xFFFFFFFF  }
0xd0: {  	_ =	task.clear_ibuf [dreg:s22], $0x2FFFF;
	_ =	strace $0x9FFFFFFF  }
0xd1: {  	(tm) =	ssettm $0x7FFFFFFF  }
tec
execute0_lowered:
.L_overlay_start_1:
0x0: {  	(tag) =	ssettag $0x1  }
0x1: {  	s1 =	srdreg.scid;
	s4 =	rddreg [dreg:$0x0]  }
0x2: {  	s0 =	stileid.u32;
	s2 =	rddreg [dreg:$0x1]  }
0x3: {  	s3 =	simm.s32 $0x0;
	s14 =	simm.s32 $0x5C00;
	s15 =	simm.s32 $0x9C00  }
0x4: {  	s16 =	simm.s32 $0x1;
	s17 =	simm.s32 $0x3;
	s18 =	simm.s32 $0x100  }
0x5: {  	s19 =	simm.s32 $0x2;
	s20 =	simm.s32 $0x4;
	s21 =	simm.s32 $0x5980  }
0x6: {  	s22 =	simm.s32 $0x0;
	s8 =	sand.u32 $0x1, s1;
	s10 =	smul.u32 $0x168, s0  }
0x7: {  	s26 =	sshll.u32 s0, $0x1;
	s1 =	rddreg [dreg:$0x2];
	s31 =	smul.u32 $0xB4000, s0  }
0x8: {  	[smem:$0x7FF] =	sst s3;
	s5 =	sor.u32 s8, s26;
	s29 =	smul.u32 $0xB4, s8  }
0x9: {  	s11 =	sadd.s32 $0x33200, s4;
	s7 =	ssub.s32 $0x2, s8;
	s6 =	smul.u32 $0xB80, s5  }
0xa: {  	_ =	strace $0x8000004A;
	s9 =	smul.u32 $0x5A000, s5;
	s28 =	sshrl.u32 s7, $0x1  }
0xb: {  	s12 =	smul.u32 $0x5A000, s8;
	s5 =	ssub.s32 s7, s28;
	s6 =	sadd.s32 s6, s4  }
0xc: {  	s30 =	sadd.s32 s29, s10;
	s4 =	sadd.s32 $0x1C200, s6;
	s6 =	sadd.s32 s11, s9  }
0xd: {  	s5 =	smax.u32 s5, $0x1;
	s9 =	sshll.u32 s30, $0xB;
	s7 =	sadd.s32 $0x800, s6  }
0xe: {  	s8 =	sadd.s32 $0x59000, s6;
	s13 =	sadd.s32 s9, s11;
	s11 =	sadd.s32 s31, s11  }
0xf: {  	s9 =	sadd.s32 $0x59800, s6;
	s10 =	sadd.s32 $0x1800, s13;
	s11 =	sadd.s32 s12, s11  }
0x10: {  	s12 =	simm.s32 $0x5;
	s13 =	simm.s32 $0x80;
	s11 =	sadd.s32 $0x1000, s11  }
.LBB2_1:
0x11: {  	[tilespmem:s3], [sflag:$0x5] =	stream.linear.gather [hbm4b:s4+s3], $0x5A00, $0x38;
	[tilespmem:$0xDC00] =	vst v63  }
0x12: {  	_ =	swait.ge [sflag:s12], $0x5A00  }
0x13: {  	[sflag:s12] =	ssyncset.done $0x0  }
0x14: {  	[sflag:s12] =	ssyncadd.s32 $0xFFFFA600  }
0x15: {  	[tilespmem:s14], [sflag:$0x1] =	stream.indirect.gather [hbm4b:s2+s13], $0x80, s3, s13, $0xb8;
	[tilespmem:$0xDC00] =	vst v63  }
0x16: {  	_ = 	snop  }
0x17: {  	[tilespmem:s15], [sflag:$0x2] =	stream.indirect.gather [hbm4b:s2+s13], $0x80, s13, s13, $0xb8;
	[tilespmem:$0xDC00] =	vst v63  }
0x18: {  	_ =	swait.ge [sflag:s16], $0x4000  }
0x19: {  	[sflag:s16] =	ssyncset.done $0x0  }
0x1a: {  	[sflag:s16] =	ssyncadd.s32 $0xFFFFC000  }
0x1b: {  	[hbm4b:s6+s3] =	stream.linear.scatter [tilespmem:s14], [sflag:$0x3], $0x4000, $0x38;
	[tilespmem:$0xDC00] =	vst v63  }
0x1c: {  	_ =	swait.ge [sflag:s17], $0x4000  }
0x1d: {  	[sflag:s17] =	ssyncset.done $0x0  }
0x1e: {  	[sflag:s17] =	ssyncadd.s32 $0xFFFFC000  }
0x1f: {  	[tilespmem:s14], [sflag:$0x1] =	stream.indirect.gather [hbm4b:s2+s13], $0x80, s18, s13, $0xb8;
	[tilespmem:$0xDC00] =	vst v63  }
0x20: {  	_ =	swait.ge [sflag:s19], $0x4000  }
0x21: {  	[sflag:s19] =	ssyncset.done $0x0  }
0x22: {  	[sflag:s19] =	ssyncadd.s32 $0xFFFFC000  }
0x23: {  	[hbm4b:s7+s3] =	stream.linear.scatter [tilespmem:s15], [sflag:$0x4], $0x4000, $0x38;
	[tilespmem:$0xDC00] =	vst v63  }
0x24: {  	_ =	swait.ge [sflag:s20], $0x4000  }
0x25: {  	[sflag:s20] =	ssyncset.done $0x0  }
0x26: {  	s23 =	simm.s32 $0x180;
	[sflag:s20] =	ssyncadd.s32 $0xFFFFC000  }
0x27: {  	[tilespmem:s15], [sflag:$0x2] =	stream.indirect.gather [hbm4b:s2+s13], $0x80, s23, s13, $0xb8;
	[tilespmem:$0xDC00] =	vst v63  }
0x28: {  	_ =	swait.ge [sflag:s16], $0x4000  }
0x29: {  	[sflag:s16] =	ssyncset.done $0x0  }
0x2a: {  	s30 =	sadd.s32 $0x0, s11;
	[sflag:s16] =	ssyncadd.s32 $0xFFFFC000  }
0x2b: {  	[hbm4b:s30+s3] =	stream.linear.scatter [tilespmem:s14], [sflag:$0x3], $0x4000, $0x38;
	[tilespmem:$0xDC00] =	vst v63  }
0x2c: {  	_ =	swait.ge [sflag:s17], $0x4000  }
0x2d: {  	[sflag:s17] =	ssyncset.done $0x0  }
0x2e: {  	s31 =	simm.s32 $0x200;
	[sflag:s17] =	ssyncadd.s32 $0xFFFFC000  }
0x2f: {  	[tilespmem:s14], [sflag:$0x1] =	stream.indirect.gather [hbm4b:s2+s13], $0x80, s31, s13, $0xb8;
	[tilespmem:$0xDC00] =	vst v63  }
0x30: {  	_ =	swait.ge [sflag:s19], $0x4000  }
0x31: {  	s25 =	sadd.s32 $0x0, s10;
	[sflag:s19] =	ssyncset.done $0x0  }
0x32: {  	s24 =	simm.s32 $0x300;
	s23 =	simm.s32 $0x1000;
	[sflag:s19] =	ssyncadd.s32 $0xFFFFC000  }
.LBB2_2:
0x33: {  	[hbm4b:s25+s3] =	stream.linear.scatter [tilespmem:s15], [sflag:$0x4], $0x4000, $0x38;
	[tilespmem:$0xDC00] =	vst v63  }
0x34: {  	s25 =	smov.u32 s23  }
0x35: {  	p0 =	sne.s32 s23, $0x57000;
	s23 =	sadd.s32 $0x1000, s23;
	_ =	swait.ge [sflag:s20], $0x4000  }
0x36: {  	[sflag:s20] =	ssyncset.done $0x0  }
0x37: {  	s26 =	sadd.s32 $0xFFFFFF80, s24;
	[sflag:s20] =	ssyncadd.s32 $0xFFFFC000  }
0x38: {  	[tilespmem:s15], [sflag:$0x2] =	stream.indirect.gather [hbm4b:s2+s13], $0x80, s26, s13, $0xb8;
	[tilespmem:$0xDC00] =	vst v63  }
0x39: {  	_ =	swait.ge [sflag:s16], $0x4000  }
0x3a: {  	[sflag:s16] =	ssyncset.done $0x0  }
0x3b: {  	s26 =	sadd.s32 s25, s11;
	[sflag:s16] =	ssyncadd.s32 $0xFFFFC000  }
0x3c: {  	[hbm4b:s26+s3] =	stream.linear.scatter [tilespmem:s14], [sflag:$0x3], $0x4000, $0x38;
	[tilespmem:$0xDC00] =	vst v63  }
0x3d: {  	_ =	swait.ge [sflag:s17], $0x4000  }
0x3e: {  	[sflag:s17] =	ssyncset.done $0x0  }
.Ltmp0:
0x3f: {  	[sflag:s17] =	ssyncadd.s32 $0xFFFFC000;
	(pc) =	sbr.rel @p0 .LBB2_2-.Ltmp0, $4  }
0x40: {  	[tilespmem:s14], [sflag:$0x1] =	stream.indirect.gather [hbm4b:s2+s13], $0x80, s24, s13, $0xb8;
	[tilespmem:$0xDC00] =	vst v63  }
0x41: {  	_ =	swait.ge [sflag:s19], $0x4000  }
0x42: {  	[sflag:s19] =	ssyncset.done $0x0  }
0x43: {  	s25 =	sadd.s32 s25, s10;
	s24 =	sadd.s32 $0x100, s24;
	[sflag:s19] =	ssyncadd.s32 $0xFFFFC000  }
0x44: {  	[hbm4b:s25+s3] =	stream.linear.scatter [tilespmem:s15], [sflag:$0x4], $0x4000, $0x38;
	[tilespmem:$0xDC00] =	vst v63  }
0x45: {  	_ =	swait.ge [sflag:s20], $0x4000  }
0x46: {  	[sflag:s20] =	ssyncset.done $0x0  }
0x47: {  	[sflag:s20] =	ssyncadd.s32 $0xFFFFC000  }
0x48: {  	[tilespmem:s15], [sflag:$0x2] =	stream.indirect.gather [hbm4b:s2+s13], $0x80, s21, s13, $0xb8;
	[tilespmem:$0xDC00] =	vst v63  }
0x49: {  	_ =	swait.ge [sflag:s16], $0x4000  }
0x4a: {  	[sflag:s16] =	ssyncset.done $0x0  }
0x4b: {  	[sflag:s16] =	ssyncadd.s32 $0xFFFFC000  }
0x4c: {  	[hbm4b:s8+s3] =	stream.linear.scatter [tilespmem:s14], [sflag:$0x3], $0x4000, $0x38;
	[tilespmem:$0xDC00] =	vst v63  }
0x4d: {  	_ =	swait.ge [sflag:s19], $0x4000  }
0x4e: {  	[sflag:s19] =	ssyncset.done $0x0  }
0x4f: {  	s22 =	sadd.s32 $0x1, s22;
	[sflag:s19] =	ssyncadd.s32 $0xFFFFC000  }
0x50: {  	[hbm4b:s9+s3] =	stream.linear.scatter [tilespmem:s15], [sflag:$0x4], $0x4000, $0x38;
	[tilespmem:$0xDC00] =	vst v63  }
0x51: {  	p0 =	sne.s32 s22, s5;
	_ =	swait.ge [sflag:s17], $0x4000  }
.Ltmp1:
0x52: {  	[sflag:s17] =	ssyncset.done $0x0;
	(pc) =	sbr.rel @p0 .LBB2_1-.Ltmp1, $4  }
0x53: {  	[sflag:s17] =	ssyncadd.s32 $0xFFFFC000  }
0x54: {  	_ =	swait.ge [sflag:s20], $0x4000  }
0x55: {  	[sflag:s20] =	ssyncset.done $0x0  }
0x56: {  	[sflag:s20] =	ssyncadd.s32 $0xFFFFC000  }
0x57: {  	_ =	sfence.sel $0x180000  }
0x58: {  	[bflag:$0x0] =	sbarrier.arrive $0xFFFF  }
0x59: {  	p0 =	sne.s32 s0, $0x0;
	_ =	strace $0x9000004A  }
0x5a: {  	s0 =	sadd.s32 @!p0 $0x100000, s1;
	[bflag:$0x2] =	sbarrier.arrive $0xFFFF  }
0x5b: {  	[sflag:s0] =	ssyncadd.tile.s32 @!p0 $0x1;
	_ =	shalt  }
.Lfunc_end2:
_tile_overlayer_lowered:
.L_overlay_start_2:
0x5c: {  	(tag) =	ssettag $0x2  }
0x5d: {  	s0 =	rddreg [dreg:$0x0];
	s2 =	stileid.u32  }
0x5e: {  	s1 =	rddreg [dreg:$0x1];
	p0 =	sne.s32 s2, $0x0  }
0x5f: {  	s3 =	rddreg [dreg:$0x2];
	[bflag:$0x3] =	sbarrier.arrive $0xFFFF;
	s2 =	simm.s32 @!p0 $0x1C05  }
0x60: {  	[timem:s3], [sflag:s2] =	dma.local @!p0 [hbm:s0], s1  }
0x61: {  	s0 =	simm.s32 @!p0 $0x5  }
0x62: {  	_ =	swait.ge @!p0 [sflag:s0], s1  }
0x63: {  	s1 =	ssub.s32 @!p0 $0x0, s1;
	[sflag:s0] =	ssyncset.done @!p0 $0x0  }
0x64: {  	[sflag:s0] =	ssyncadd.s32 @!p0 s1  }
0x65: {  	[bflag:$0x3] =	sbarrier.arrive $0xFFFF  }
0x66: {  	_ =	shalt  }

</sc_bundles>
